<compile_context>
chip_gen: v7x
topology: tpu7x:2x2x1
jax: 0.10.2.dev20260603
libtpu: 0.0.44.dev20260713+nightly
codegen_flags: <defaults>
</compile_context>

<pallas_src>
import functools

import jax
import jax.numpy as jnp
import numpy as np
from jax import lax
from jax.experimental import pallas as pl
from jax.experimental.pallas import tpu as pltpu
from jax.experimental.pallas import tpu_sc as plsc

NUM_CLASSES = 80
NUM_ANCHORS = 20000
BATCH = 8
MAX_TRUE = 100
POS_THRESH = 0.5
NEG_THRESH = 0.4
ALPHA = 0.25
GAMMA = 2.0
EPS = 1e-7

AB = 4000
NBLK = NUM_ANCHORS // AB

TOTAL = BATCH * NUM_ANCHORS
NW = 32
CHUNK = TOTAL // NW
NV = CHUNK // 16
CHUNK_PAD = (NV + 1) * 16
CAPW = 5120
GB = 128

_ATAN_C = (1.00000000e+00, -3.33333331e-01, 1.99999846e-01, -1.42853316e-01,
           1.11062643e-01, -9.05436302e-02, 7.51323369e-02, -6.06349744e-02,
           4.42830421e-02, -2.66563540e-02, 1.18503795e-02, -3.35367563e-03,
           4.45197908e-04)


def _atan_nonneg(x):
    big = x > 1.0
    t = jnp.where(big, 1.0 / jnp.maximum(x, 1.0), x)
    t2 = t * t
    acc = jnp.full_like(t, _ATAN_C[-1])
    for c in _ATAN_C[-2::-1]:
        acc = acc * t2 + c
    a = t * acc
    return jnp.where(big, (np.pi / 2.0) - a, a)


def _k1_block(ancT_ref, bt_ref, btT_ref, yt_ref, conf_ref, bpT_ref,
              acc_ref, flag_ref, ca_ref):
    b = pl.program_id(0)
    j = pl.program_id(1)
    anc = ancT_ref[...]
    bt = bt_ref[0]
    btT = btT_ref[0]
    yt = yt_ref[0]
    conf = conf_ref[0, 0]
    bp = bpT_ref[0]

    ax1 = anc[0, 0]; ay1 = anc[1, 0]; ax2 = anc[2, 0]; ay2 = anc[3, 0]
    bx1 = bt[:, 0:1]; by1 = bt[:, 1:2]; bx2 = bt[:, 2:3]; by2 = bt[:, 3:4]

    ix1 = jnp.maximum(ax1, bx1)
    iy1 = jnp.maximum(ay1, by1)
    ix2 = jnp.minimum(ax2, bx2)
    iy2 = jnp.minimum(ay2, by2)
    inter = jnp.clip(ix2 - ix1, 0.0) * jnp.clip(iy2 - iy1, 0.0)
    area_a = jnp.clip(ax2 - ax1, 0.0) * jnp.clip(ay2 - ay1, 0.0)
    area_b = jnp.clip(bx2 - bx1, 0.0) * jnp.clip(by2 - by1, 0.0)
    iou = inter / (area_a + area_b - inter + EPS)

    max_iou = jnp.max(iou, axis=0, keepdims=True)
    pos = max_iou >= POS_THRESH
    neg = max_iou < NEG_THRESH
    pw = pos.astype(jnp.float32)
    tw = (pos | neg).astype(jnp.float32)
    possel = (iou == max_iou).astype(jnp.float32) * pw

    p = jnp.clip(conf, EPS, 1.0 - EPS)
    bce = -(pw * jnp.log(p) + (1.0 - pw) * jnp.log(1.0 - p))
    s_sum = jnp.sum(bce * tw)

    kvec = jax.lax.broadcasted_iota(jnp.int32, (NUM_CLASSES, 1), 0)
    cls_col = jnp.dot(yt, kvec.astype(jnp.float32),
                      preferred_element_type=jnp.float32)
    c_a = jax.lax.dot_general(cls_col, possel, (((0,), (0,)), ((), ())),
                              preferred_element_type=jnp.float32)

    basn = jnp.dot(btT, possel, preferred_element_type=jnp.float32)
    x1t = basn[0:1, :]; y1t = basn[1:2, :]; x2t = basn[2:3, :]; y2t = basn[3:4, :]
    x1p = bp[0, 0]; y1p = bp[1, 0]; x2p = bp[2, 0]; y2p = bp[3, 0]
    wt = jnp.clip(x2t - x1t, 0.0); ht = jnp.clip(y2t - y1t, 0.0)
    wp = jnp.clip(x2p - x1p, 0.0); hp = jnp.clip(y2p - y1p, 0.0)
    inter2 = jnp.clip(jnp.minimum(x2t, x2p) - jnp.maximum(x1t, x1p), 0.0) * \
             jnp.clip(jnp.minimum(y2t, y2p) - jnp.maximum(y1t, y1p), 0.0)
    union = wt * ht + wp * hp - inter2
    iou2 = inter2 / (union + EPS)
    cw = jnp.maximum(x2t, x2p) - jnp.minimum(x1t, x1p)
    ch = jnp.maximum(y2t, y2p) - jnp.minimum(y1t, y1p)
    c2 = cw * cw + ch * ch + EPS
    rho2 = ((x1t + x2t - x1p - x2p) ** 2 + (y1t + y2t - y1p - y2p) ** 2) / 4.0
    v = (4.0 / (np.pi ** 2)) * (_atan_nonneg(wt / (ht + EPS)) -
                                _atan_nonneg(wp / (hp + EPS))) ** 2
    alpha_t = v / (1.0 - iou2 + v + EPS)
    cl = 1.0 - (iou2 - rho2 / c2 - alpha_t * v)
    b_sum = jnp.sum(cl * pw)

    cnt = jnp.sum(pw)

    rows = jnp.concatenate([
        jnp.full((1, 128), s_sum, jnp.float32),
        jnp.full((1, 128), 0.0, jnp.float32),
        jnp.full((1, 128), b_sum, jnp.float32),
        jnp.full((1, 128), cnt, jnp.float32),
        jnp.zeros((4, 128), jnp.float32),
    ], axis=0)

    @pl.when((b == 0) & (j == 0))
    def _init():
        acc_ref[...] = jnp.zeros_like(acc_ref)

    acc_ref[b] = acc_ref[b] + rows
    flag_ref[0, 0] = pw
    ca_ref[0, 0] = c_a


def _run_k1(y_true, bbox_true, conf_pred, bbox_pred, anchors):
    ancT = jnp.transpose(anchors, (1, 0)).reshape(4, NBLK, 1, AB)
    btT = jnp.transpose(bbox_true, (0, 2, 1))
    conf3 = conf_pred.reshape(BATCH, NBLK, 1, AB)
    bpT = jnp.transpose(bbox_pred, (0, 2, 1)).reshape(BATCH, 4, NBLK, 1, AB)

    return pl.pallas_call(
        _k1_block,
        grid=(BATCH, NBLK),
        in_specs=[
            pl.BlockSpec((4, 1, 1, AB), lambda b, j: (0, j, 0, 0)),
            pl.BlockSpec((1, MAX_TRUE, 4), lambda b, j: (b, 0, 0)),
            pl.BlockSpec((1, 4, MAX_TRUE), lambda b, j: (b, 0, 0)),
            pl.BlockSpec((1, MAX_TRUE, NUM_CLASSES), lambda b, j: (b, 0, 0)),
            pl.BlockSpec((1, 1, 1, AB), lambda b, j: (b, j, 0, 0)),
            pl.BlockSpec((1, 4, 1, 1, AB), lambda b, j: (b, 0, j, 0, 0)),
        ],
        out_specs=[
            pl.BlockSpec((BATCH, 8, 128), lambda b, j: (0, 0, 0)),
            pl.BlockSpec((1, 1, 1, AB), lambda b, j: (b, j, 0, 0)),
            pl.BlockSpec((1, 1, 1, AB), lambda b, j: (b, j, 0, 0)),
        ],
        out_shape=[
            jax.ShapeDtypeStruct((BATCH, 8, 128), jnp.float32),
            jax.ShapeDtypeStruct((BATCH, NBLK, 1, AB), jnp.float32),
            jax.ShapeDtypeStruct((BATCH, NBLK, 1, AB), jnp.float32),
        ],
    )(ancT, bbox_true, btT, y_true, conf3, bpT)


def _sc_body(flags_hbm, ca_hbm, logit_hbm, rows_out, ca_out, cnt_out,
             flg_v, cav_v, idx_v, cac_v, idxw_v, rows_v, cnt_v, sem):
    wid = lax.axis_index("s") * 2 + lax.axis_index("c")
    base = wid * CHUNK

    zeros16 = jnp.zeros((16,), jnp.float32)
    flg_v[pl.ds(NV * 16, 16)] = zeros16
    pltpu.sync_copy(flags_hbm.at[pl.ds(base, CHUNK)], flg_v.at[pl.ds(0, CHUNK)])
    pltpu.sync_copy(ca_hbm.at[pl.ds(base, CHUNK)], cav_v.at[pl.ds(0, CHUNK)])

    def zbody(i, _):
        idx_v[pl.ds(i * 16, 16)] = jnp.zeros((16,), jnp.int32)
        return 0
    lax.fori_loop(0, (CAPW + 16) // 16, zbody, 0)

    lane = lax.broadcasted_iota(jnp.int32, (16,), 0)

    def cbody(i, off):
        v = flg_v[pl.ds(i * 16, 16)]
        cav = cav_v[pl.ds(i * 16, 16)]
        m = v > 0.5
        idxs = base + i * 16 + lane
        plsc.store_compressed(idx_v.at[pl.ds(off, 16)], idxs, mask=m)
        plsc.store_compressed(cac_v.at[pl.ds(off, 16)], cav, mask=m)
        return off + plsc.all_reduce_population_count(m)[0]
    p_w = lax.fori_loop(0, NV + 1, cbody, 0)

    nch = (p_w + (GB - 1)) // GB

    def gbody(k, _):
        def wbody(jj, _2):
            idxw_v[pl.ds(jj * 16, 16)] = idx_v[pl.ds(k * GB + jj * 16, 16)]
            return 0
        lax.fori_loop(0, GB // 16, wbody, 0)
        pltpu.async_copy(logit_hbm.at[idxw_v], rows_v, sem).wait()
        pltpu.sync_copy(rows_v, rows_out.at[wid, pl.ds(k * GB, GB)])
        pltpu.sync_copy(cac_v.at[pl.ds(k * GB, GB)],
                        ca_out.at[wid, pl.ds(k * GB, GB)])
        return 0
    lax.fori_loop(0, nch, gbody, 0)

    cnt_v[...] = jnp.full((16,), p_w, jnp.int32)
    pltpu.sync_copy(cnt_v, cnt_out.at[wid])


def _run_sc(flags_flat, ca_flat, logit_flat):
    mesh = plsc.VectorSubcoreMesh(core_axis_name="c", subcore_axis_name="s")
    kern = functools.partial(
        pl.kernel, mesh=mesh,
        compiler_params=pltpu.CompilerParams(
            use_tc_tiling_on_sc=False, needs_layout_passes=False),
        out_type=[
            jax.ShapeDtypeStruct((NW, CAPW, NUM_CLASSES), jnp.float32),
            jax.ShapeDtypeStruct((NW, CAPW), jnp.float32),
            jax.ShapeDtypeStruct((NW, 16), jnp.int32),
        ],
        scratch_types=[
            pltpu.VMEM((CHUNK_PAD,), jnp.float32),
            pltpu.VMEM((CHUNK_PAD,), jnp.float32),
            pltpu.VMEM((CAPW + 16,), jnp.int32),
            pltpu.VMEM((CAPW + 16,), jnp.float32),
            pltpu.VMEM((GB,), jnp.int32),
            pltpu.VMEM((GB, NUM_CLASSES), jnp.float32),
            pltpu.VMEM((16,), jnp.int32),
            pltpu.SemaphoreType.DMA,
        ],
    )(_sc_body)
    return kern(flags_flat, ca_flat, logit_flat)


def _k2_block(cnt_ref, acc_ref, rows_hbm, ca_hbm, out_ref,
              rows_v, cav_v, sem1, sem2):
    w = pl.program_id(0)
    cnt_w = cnt_ref[0, 0, 0]

    lane_k = jax.lax.broadcasted_iota(jnp.int32, (GB, NUM_CLASSES), 1)
    sub_i = jax.lax.broadcasted_iota(jnp.int32, (GB, 1), 0)

    def chunk_body(k, csum):
        cp1 = pltpu.make_async_copy(rows_hbm.at[w, pl.ds(k * GB, GB)],
                                    rows_v, sem1)
        cp2 = pltpu.make_async_copy(ca_hbm.at[w, pl.ds(k * GB, GB)],
                                    cav_v, sem2)
        cp1.start(); cp2.start()
        cp1.wait(); cp2.wait()
        q = jnp.clip(rows_v[...], EPS, 1.0 - EPS)
        r = 1.0 - q
        neg_term = -(1.0 - ALPHA) * q * q * jnp.log(r)
        pos_term = -ALPHA * r * r * jnp.log(q)
        ca = cav_v[...]
        onehot = (lane_k == ca.astype(jnp.int32)).astype(jnp.float32)
        row_sum = jnp.sum(neg_term, axis=1, keepdims=True) + \
                  jnp.sum((pos_term - neg_term) * onehot, axis=1, keepdims=True)
        mask = (k * GB + sub_i < cnt_w).astype(jnp.float32)
        return csum + jnp.sum(row_sum * mask)

    nch = (cnt_w + (GB - 1)) // GB
    csum = lax.fori_loop(0, nch, chunk_body, 0.0)

    @pl.when(w == 0)
    def _init():
        out_ref[...] = jnp.zeros_like(out_ref)

    out_ref[...] = out_ref[...] + jnp.full((1, 128), csum, jnp.float32)

    @pl.when(w == NW - 1)
    def _finalize():
        allp = acc_ref[...]
        cnts = allp[:, 3, 0:1]
        avg = jnp.sum(jnp.maximum(cnts, 1.0))
        sv = jnp.sum(allp[:, 0, 0:1]) / avg
        bv = jnp.sum(allp[:, 2, 0:1]) / avg
        cv = out_ref[0, 0] / avg
        lane = jax.lax.broadcasted_iota(jnp.int32, (1, 128), 1)
        row = jnp.where(lane == 0, sv,
                        jnp.where(lane == 1, cv,
                                  jnp.where(lane == 2, bv, 0.0)))
        row = jnp.where(jnp.isnan(row) | jnp.isinf(row), 0.0, row)
        out_ref[...] = row


def _run_k2(cnt, acc, rows, ca):
    cnt3 = cnt.reshape(NW, 1, 16)
    ca3 = ca.reshape(NW, CAPW, 1)
    return pl.pallas_call(
        _k2_block,
        grid=(NW,),
        in_specs=[
            pl.BlockSpec((1, 1, 16), lambda w: (w, 0, 0)),
            pl.BlockSpec((BATCH, 8, 128), lambda w: (0, 0, 0)),
            pl.BlockSpec(memory_space=pl.ANY),
            pl.BlockSpec(memory_space=pl.ANY),
        ],
        out_specs=pl.BlockSpec((1, 128), lambda w: (0, 0)),
        out_shape=jax.ShapeDtypeStruct((1, 128), jnp.float32),
        scratch_shapes=[
            pltpu.VMEM((GB, NUM_CLASSES), jnp.float32),
            pltpu.VMEM((GB, 1), jnp.float32),
            pltpu.SemaphoreType.DMA,
            pltpu.SemaphoreType.DMA,
        ],
    )(cnt3, acc, rows, ca3)


@jax.jit
def kernel(y_true, bbox_true, conf_pred, logit_pred, bbox_pred, anchors):
    acc, flags, ca = _run_k1(y_true, bbox_true, conf_pred, bbox_pred, anchors)
    flags_flat = flags.reshape(TOTAL)
    ca_flat = ca.reshape(TOTAL)
    logit_flat = logit_pred.reshape(TOTAL, NUM_CLASSES)
    rows, cac, cnt = _run_sc(flags_flat, ca_flat, logit_flat)
    out = _run_k2(cnt, acc, rows, cac)
    return out[0, :3]

# --- scband reference (transcript-rebuilt; emitter-appended) ---
"""Pipeline reference for scband-yolo-loss-335007450062 (READ-ONLY COPY).

The authoritative reference and input builder live on the scoring server;
editing this copy changes nothing except your own understanding.
"""

import jax, jax.numpy as jnp
import numpy as np

NUM_CLASSES = 80
NUM_ANCHORS = 20000
BATCH = 8
MAX_TRUE = 100
POS_THRESH = 0.5
NEG_THRESH = 0.4
ALPHA = 0.25
GAMMA = 2.0
EPS = 1e-7


def _make_boxes(key, shape_prefix, min_s, max_s):
    k1, k2 = jax.random.split(key)
    c = jax.random.uniform(k1, shape_prefix + (2,), minval=0.0, maxval=1.0)
    s = jax.random.uniform(k2, shape_prefix + (2,), minval=min_s, maxval=max_s)
    lo = jnp.clip(c - s / 2.0, 0.0, 1.0)
    hi = jnp.clip(c + s / 2.0, 0.0, 1.0)
    return jnp.concatenate([lo, hi], axis=-1)


def setup_inputs(seed: int = 0) -> dict:
    key = jax.random.key(seed)
    ks = jax.random.split(key, 8)
    bbox_true = _make_boxes(ks[0], (BATCH, MAX_TRUE), 0.05, 0.4)
    valid = (jax.random.uniform(ks[1], (BATCH, MAX_TRUE, 1)) > 0.4).astype(jnp.float32)
    bbox_true = bbox_true * valid  # padded (all-zero) gt rows
    cls = jax.random.randint(ks[2], (BATCH, MAX_TRUE), 0, NUM_CLASSES)
    y_true = jax.nn.one_hot(cls, NUM_CLASSES, dtype=jnp.float32)
    conf_pred = jax.random.uniform(ks[3], (BATCH, NUM_ANCHORS, 1), minval=0.01, maxval=0.99)
    logit_pred = jax.random.uniform(ks[4], (BATCH, NUM_ANCHORS, NUM_CLASSES), minval=0.01, maxval=0.99)
    bbox_pred = _make_boxes(ks[5], (BATCH, NUM_ANCHORS), 0.02, 0.4)
    anchors = _make_boxes(ks[6], (NUM_ANCHORS,), 0.02, 0.25)
    return {"y_true": y_true, "bbox_true": bbox_true, "conf_pred": conf_pred,
            "logit_pred": logit_pred, "bbox_pred": bbox_pred, "anchors": anchors}


def _pairwise_iou(anchors, boxes):  # (A,4),(T,4)->(A,T)
    a = anchors[:, None, :]
    b = boxes[None, :, :]
    ix1 = jnp.maximum(a[..., 0], b[..., 0])
    iy1 = jnp.maximum(a[..., 1], b[..., 1])
    ix2 = jnp.minimum(a[..., 2], b[..., 2])
    iy2 = jnp.minimum(a[..., 3], b[..., 3])
    inter = jnp.clip(ix2 - ix1, 0.0) * jnp.clip(iy2 - iy1, 0.0)
    area_a = jnp.clip(a[..., 2] - a[..., 0], 0.0) * jnp.clip(a[..., 3] - a[..., 1], 0.0)
    area_b = jnp.clip(b[..., 2] - b[..., 0], 0.0) * jnp.clip(b[..., 3] - b[..., 1], 0.0)
    return inter / (area_a + area_b - inter + EPS)


def _target_single(y_true, bbox_true, anchors):
    # max_iou assignment: pos if max IoU >= 0.5, neg if < 0.4, else neutral
    valid = jnp.any(bbox_true > 0, axis=-1)  # (T,)
    iou = _pairwise_iou(anchors, bbox_true)  # (A,T)
    iou = jnp.where(valid[None, :], iou, -1.0)
    max_iou = jnp.max(iou, axis=1)
    arg = jnp.argmax(iou, axis=1)
    state = jnp.where(max_iou >= POS_THRESH, 1,
                      jnp.where(max_iou < NEG_THRESH, -1, 0)).astype(jnp.int8)[:, None]
    pos = (max_iou >= POS_THRESH)[:, None]
    bg = jnp.zeros((anchors.shape[0], NUM_CLASSES), dtype=jnp.float32).at[:, 0].set(1.0)
    y_asn = jnp.where(pos, jnp.take(y_true, arg, axis=0), bg)
    b_asn = jnp.where(pos, jnp.take(bbox_true, arg, axis=0), 0.0)
    return state, y_asn, b_asn


def _ciou_loss(bt, bp):  # (...,4) -> (...)
    x1t, y1t, x2t, y2t = bt[..., 0], bt[..., 1], bt[..., 2], bt[..., 3]
    x1p, y1p, x2p, y2p = bp[..., 0], bp[..., 1], bp[..., 2], bp[..., 3]
    wt = jnp.clip(x2t - x1t, 0.0); ht = jnp.clip(y2t - y1t, 0.0)
    wp = jnp.clip(x2p - x1p, 0.0); hp = jnp.clip(y2p - y1p, 0.0)
    inter = jnp.clip(jnp.minimum(x2t, x2p) - jnp.maximum(x1t, x1p), 0.0) * \
            jnp.clip(jnp.minimum(y2t, y2p) - jnp.maximum(y1t, y1p), 0.0)
    union = wt * ht + wp * hp - inter
    iou = inter / (union + EPS)
    cw = jnp.maximum(x2t, x2p) - jnp.minimum(x1t, x1p)
    ch = jnp.maximum(y2t, y2p) - jnp.minimum(y1t, y1p)
    c2 = cw * cw + ch * ch + EPS
    rho2 = ((x1t + x2t - x1p - x2p) ** 2 + (y1t + y2t - y1p - y2p) ** 2) / 4.0
    v = (4.0 / (np.pi ** 2)) * (jnp.arctan(wt / (ht + EPS)) - jnp.arctan(wp / (hp + EPS))) ** 2
    alpha = jax.lax.stop_gradient(v / (1.0 - iou + v + EPS))
    return 1.0 - (iou - rho2 / c2 - alpha * v)


def reference(y_true, bbox_true, conf_pred, logit_pred, bbox_pred, anchors):
    state, y_asn, b_asn = jax.vmap(lambda yt, bt: _target_single(yt, bt, anchors))(y_true, bbox_true)
    pw = (state == 1).astype(jnp.float32)   # positive weight (B,A,1)
    tw = (state != 0).astype(jnp.float32)   # target weight (B,A,1)
    avg = jnp.sum(jnp.maximum(jnp.sum(pw, axis=-2), 1.0))
    # score loss: binary cross entropy on objectness
    p = jnp.clip(conf_pred, EPS, 1.0 - EPS)
    bce = -(pw * jnp.log(p) + (1.0 - pw) * jnp.log(1.0 - p))
    score_loss = jnp.sum(bce * tw) / avg
    # class loss: focal binary cross entropy
    q = jnp.clip(logit_pred, EPS, 1.0 - EPS)
    ce = -(y_asn * jnp.log(q) + (1.0 - y_asn) * jnp.log(1.0 - q))
    p_t = y_asn * q + (1.0 - y_asn) * (1.0 - q)
    a_t = y_asn * ALPHA + (1.0 - y_asn) * (1.0 - ALPHA)
    focal = a_t * jnp.power(1.0 - p_t, GAMMA) * ce
    class_loss = jnp.sum(focal * pw) / avg
    # bbox loss: CIoU
    cl = _ciou_loss(b_asn, bbox_pred)[..., None]
    bbox_loss = jnp.sum(cl * pw) / avg
    losses = jnp.stack([score_loss, class_loss, bbox_loss])
    losses = jnp.where(jnp.isnan(losses) | jnp.isinf(losses), 0.0, losses)
    return losses

if __name__ == "__main__":
    import jax
    _d = setup_inputs()
    print(jax.jit(kernel)(*tuple(_d.values())))

</pallas_src>

<mosaic_0001>
#map = affine_map<(d0, d1) -> (0)>
#map1 = affine_map<(d0, d1) -> (0, 0)>
#map2 = affine_map<(d0, d1) -> (0, 0, 0)>
module attributes {stable_mosaic.version = 14 : i64} {
  func.func @_sc_body(%arg0: i32, %arg1: i32, %arg2: memref<160000xf32, #tpu.memory_space<hbm>>, %arg3: memref<160000xf32, #tpu.memory_space<hbm>>, %arg4: memref<160000x80xf32, #tpu.memory_space<hbm>>, %arg5: memref<32x5120x80xf32, #tpu.memory_space<hbm>>, %arg6: memref<32x5120xf32, #tpu.memory_space<hbm>>, %arg7: memref<32x16xi32, #tpu.memory_space<hbm>>, %arg8: memref<5008xf32, #tpu.memory_space<vmem>>, %arg9: memref<5008xf32, #tpu.memory_space<vmem>>, %arg10: memref<5136xi32, #tpu.memory_space<vmem>>, %arg11: memref<5136xf32, #tpu.memory_space<vmem>>, %arg12: memref<128xi32, #tpu.memory_space<vmem>>, %arg13: memref<128x80xf32, #tpu.memory_space<vmem>>, %arg14: memref<16xi32, #tpu.memory_space<vmem>>, %arg15: memref<!tpu.dma_semaphore, #tpu.memory_space<semaphore_mem>>) attributes {dimension_semantics = [#tpu.dimension_semantics<core_parallel>, #tpu.dimension_semantics<subcore_parallel>], iteration_bounds = array<i64: 2, 16>, scalar_prefetch = 0 : i64, scratch_operands = 8 : i64, tpu.core_type = #tpu.core_type<sc_vector_subcore>, window_params = [{transform_indices = #map}, {transform_indices = #map}, {transform_indices = #map1}, {transform_indices = #map2}, {transform_indices = #map1}, {transform_indices = #map1}]} {
    %mul3A = arith.constant 2 : i32
    %mul3A_0 = arith.muli %arg1, %mul3A : i32
    %add3A = arith.addi %mul3A_0, %arg0 : i32
    %mul3A_1 = arith.constant 5000 : i32
    %mul3A_2 = arith.muli %add3A, %mul3A_1 : i32
    %broadcast_in_dim3A = arith.constant 0.000000e+00 : f32
    %broadcast_in_dim3A_3 = vector.broadcast %broadcast_in_dim3A : f32 to vector<16xf32>
    %swap3A = arith.constant 4992 : index
    %swap3A_4 = tpu.vector_load %arg8[%swap3A] {strides = array<i32>} : memref<5008xf32, #tpu.memory_space<vmem>>, vector<16xf32>,
    tpu.vector_store %arg8[%swap3A], %broadcast_in_dim3A_3 {strides = array<i32>} : memref<5008xf32, #tpu.memory_space<vmem>>, vector<16xf32>,
    "tpu.region"() ({
      %run_scoped3A = tpu.sem_alloc : memref<!tpu.dma_semaphore, #tpu.memory_space<semaphore_mem>>
      %dma_start3A = arith.constant 0 : i32
      %dma_start3A_50 = tpu.memref_slice %arg8[%dma_start3A] : memref<5008xf32, #tpu.memory_space<vmem>> -> memref<5000xf32, #tpu.memory_space<vmem>>
      %dma_start3A_51 = tpu.memref_slice %arg2[%mul3A_2] : memref<160000xf32, #tpu.memory_space<hbm>> -> memref<5000xf32, #tpu.memory_space<hbm>>
      %dma_start3A_52 = arith.constant 0 : i32
      %dma_start3A_53 = tpu.memref_slice %arg8[%dma_start3A_52] : memref<5008xf32, #tpu.memory_space<vmem>> -> memref<5000xf32, #tpu.memory_space<vmem>>
      %dma_start3A_54 = tpu.memref_slice %arg2[%mul3A_2] : memref<160000xf32, #tpu.memory_space<hbm>> -> memref<5000xf32, #tpu.memory_space<hbm>>
      tpu.enqueue_dma source(%dma_start3A_54 : memref<5000xf32, #tpu.memory_space<hbm>>) target(%dma_start3A_53 : memref<5000xf32, #tpu.memory_space<vmem>>) target_semaphore(%run_scoped3A : memref<!tpu.dma_semaphore, #tpu.memory_space<semaphore_mem>>)
      %dma_wait3A = arith.constant 0 : i32
      %dma_wait3A_55 = tpu.memref_slice %arg8[%dma_wait3A] : memref<5008xf32, #tpu.memory_space<vmem>> -> memref<5000xf32, #tpu.memory_space<vmem>>
      %dma_wait3A_56 = tpu.memref_slice %arg2[%mul3A_2] : memref<160000xf32, #tpu.memory_space<hbm>> -> memref<5000xf32, #tpu.memory_space<hbm>>
      %dma_wait3A_57 = arith.constant 0 : i32
      %dma_wait3A_58 = tpu.memref_slice %arg8[%dma_wait3A_57] : memref<5008xf32, #tpu.memory_space<vmem>> -> memref<5000xf32, #tpu.memory_space<vmem>>
      %dma_wait3A_59 = tpu.memref_slice %arg2[%mul3A_2] : memref<160000xf32, #tpu.memory_space<hbm>> -> memref<5000xf32, #tpu.memory_space<hbm>>
      tpu.wait_dma2 semaphore(%run_scoped3A : memref<!tpu.dma_semaphore, #tpu.memory_space<semaphore_mem>>) src(%dma_wait3A_59 : memref<5000xf32, #tpu.memory_space<hbm>>) dst(%dma_wait3A_58 : memref<5000xf32, #tpu.memory_space<vmem>>)
      tpu.yield
    }) : () -> ()
    "tpu.region"() ({
      %run_scoped3A = tpu.sem_alloc : memref<!tpu.dma_semaphore, #tpu.memory_space<semaphore_mem>>
      %dma_start3A = arith.constant 0 : i32
      %dma_start3A_50 = tpu.memref_slice %arg9[%dma_start3A] : memref<5008xf32, #tpu.memory_space<vmem>> -> memref<5000xf32, #tpu.memory_space<vmem>>
      %dma_start3A_51 = tpu.memref_slice %arg3[%mul3A_2] : memref<160000xf32, #tpu.memory_space<hbm>> -> memref<5000xf32, #tpu.memory_space<hbm>>
      %dma_start3A_52 = arith.constant 0 : i32
      %dma_start3A_53 = tpu.memref_slice %arg9[%dma_start3A_52] : memref<5008xf32, #tpu.memory_space<vmem>> -> memref<5000xf32, #tpu.memory_space<vmem>>
      %dma_start3A_54 = tpu.memref_slice %arg3[%mul3A_2] : memref<160000xf32, #tpu.memory_space<hbm>> -> memref<5000xf32, #tpu.memory_space<hbm>>
      tpu.enqueue_dma source(%dma_start3A_54 : memref<5000xf32, #tpu.memory_space<hbm>>) target(%dma_start3A_53 : memref<5000xf32, #tpu.memory_space<vmem>>) target_semaphore(%run_scoped3A : memref<!tpu.dma_semaphore, #tpu.memory_space<semaphore_mem>>)
      %dma_wait3A = arith.constant 0 : i32
      %dma_wait3A_55 = tpu.memref_slice %arg9[%dma_wait3A] : memref<5008xf32, #tpu.memory_space<vmem>> -> memref<5000xf32, #tpu.memory_space<vmem>>
      %dma_wait3A_56 = tpu.memref_slice %arg3[%mul3A_2] : memref<160000xf32, #tpu.memory_space<hbm>> -> memref<5000xf32, #tpu.memory_space<hbm>>
      %dma_wait3A_57 = arith.constant 0 : i32
      %dma_wait3A_58 = tpu.memref_slice %arg9[%dma_wait3A_57] : memref<5008xf32, #tpu.memory_space<vmem>> -> memref<5000xf32, #tpu.memory_space<vmem>>
      %dma_wait3A_59 = tpu.memref_slice %arg3[%mul3A_2] : memref<160000xf32, #tpu.memory_space<hbm>> -> memref<5000xf32, #tpu.memory_space<hbm>>
      tpu.wait_dma2 semaphore(%run_scoped3A : memref<!tpu.dma_semaphore, #tpu.memory_space<semaphore_mem>>) src(%dma_wait3A_59 : memref<5000xf32, #tpu.memory_space<hbm>>) dst(%dma_wait3A_58 : memref<5000xf32, #tpu.memory_space<vmem>>)
      tpu.yield
    }) : () -> ()
    %scan3A = arith.constant 0 : i32
    %scan3A_5 = arith.constant 0 : i32
    %scan3A_6 = arith.constant 321 : i32
    %scan3A_7 = arith.addi %scan3A_5, %scan3A_6 : i32
    %scan3A_8 = arith.constant 1 : i32
    %scan3A_9 = scf.for %scan3A_50 = %scan3A_5 to %scan3A_7 step %scan3A_8 iter_args(%scan3A_51 = %scan3A) -> (i32)  : i32 {
      %broadcast_in_dim3A_52 = arith.constant 0 : i32
      %broadcast_in_dim3A_53 = vector.broadcast %broadcast_in_dim3A_52 : i32 to vector<16xi32>
      %mul3A_54 = arith.constant 16 : i32
      %mul3A_55 = arith.muli %scan3A_50, %mul3A_54 : i32
      %swap3A_56 = arith.index_cast %mul3A_55 : i32 to index
      %swap3A_57 = tpu.vector_load %arg10[%swap3A_56] {strides = array<i32>} : memref<5136xi32, #tpu.memory_space<vmem>>, vector<16xi32>,
      tpu.vector_store %arg10[%swap3A_56], %broadcast_in_dim3A_53 {strides = array<i32>} : memref<5136xi32, #tpu.memory_space<vmem>>, vector<16xi32>,
      %scan3A_58 = arith.constant 0 : i32
      scf.yield %scan3A_58 : i32
    }
    %scan3A_10 = arith.constant 321 : i32
    %iota3A = tpu.iota {dimensions = array<i32: 0>} : vector<16xi32>
    %scan3A_11 = arith.constant 0 : i32
    %scan3A_12 = arith.constant 0 : i32
    %scan3A_13 = arith.constant 313 : i32
    %scan3A_14 = arith.addi %scan3A_12, %scan3A_13 : i32
    %scan3A_15 = arith.constant 1 : i32
    %scan3A_16 = scf.for %scan3A_50 = %scan3A_12 to %scan3A_14 step %scan3A_15 iter_args(%scan3A_51 = %scan3A_11) -> (i32)  : i32 {
      %mul3A_52 = arith.constant 16 : i32
      %mul3A_53 = arith.muli %scan3A_50, %mul3A_52 : i32
      %get3A = arith.index_cast %mul3A_53 : i32 to index
      %get3A_54 = tpu.vector_load %arg8[%get3A] {strides = array<i32>} : memref<5008xf32, #tpu.memory_space<vmem>>, vector<16xf32>,
      %mul3A_55 = arith.constant 16 : i32
      %mul3A_56 = arith.muli %scan3A_50, %mul3A_55 : i32
      %get3A_57 = arith.index_cast %mul3A_56 : i32 to index
      %get3A_58 = tpu.vector_load %arg9[%get3A_57] {strides = array<i32>} : memref<5008xf32, #tpu.memory_space<vmem>>, vector<16xf32>,
      %gt3A = arith.constant 5.000000e-01 : f32
      %gt3A_59 = vector.broadcast %gt3A : f32 to vector<16xf32>
      %gt3A_60 = arith.cmpf ogt, %get3A_54, %gt3A_59 : vector<16xf32>
      %mul3A_61 = arith.constant 16 : i32
      %mul3A_62 = arith.muli %scan3A_50, %mul3A_61 : i32
      %add3A_63 = arith.addi %mul3A_2, %mul3A_62 : i32
      %add3A_64 = vector.broadcast %add3A_63 : i32 to vector<16xi32>
      %add3A_65 = arith.addi %add3A_64, %iota3A : vector<16xi32>
      %swap3A_66 = arith.index_cast %scan3A_51 : i32 to index
      %swap3A_67 = tpu.vector_load %arg10[%swap3A_66] masked %gt3A_60 {strides = array<i32>} : memref<5136xi32, #tpu.memory_space<vmem>>, vector<16xi32>, vector<16xi1>
      tpu.vector_store %arg10[%swap3A_66], %add3A_65 masked %gt3A_60 {strides = array<i32>} : memref<5136xi32, #tpu.memory_space<vmem>>, vector<16xi32>, vector<16xi1>
      %swap3A_68 = arith.index_cast %scan3A_51 : i32 to index
      %swap3A_69 = tpu.vector_load %arg11[%swap3A_68] masked %gt3A_60 {strides = array<i32>} : memref<5136xf32, #tpu.memory_space<vmem>>, vector<16xf32>, vector<16xi1>
      tpu.vector_store %arg11[%swap3A_68], %get3A_58 masked %gt3A_60 {strides = array<i32>} : memref<5136xf32, #tpu.memory_space<vmem>>, vector<16xf32>, vector<16xi1>
      %all_reduce_population_count3A = tpu.all_reduce %gt3A_60 {dim = 0 : i64, kind = #tpu.reduction_kind<sum>} : vector<16xi1> -> vector<16xi32>
      %slice3A = vector.extract_strided_slice %all_reduce_population_count3A {offsets = [0], sizes = [1], strides = [1]} : vector<16xi32> to vector<1xi32>
      %squeeze3A = vector.extract %slice3A[0] : i32 from vector<1xi32>
      %add3A_70 = arith.addi %scan3A_51, %squeeze3A : i32
      scf.yield %add3A_70 : i32
    }
    %scan3A_17 = arith.constant 313 : i32
    %add3A_18 = arith.constant 127 : i32
    %add3A_19 = arith.addi %scan3A_16, %add3A_18 : i32
    %jit3A = arith.constant 128 : i32
    %div3A = arith.divsi %add3A_19, %jit3A : i32
    %sign3A = arith.constant 0 : i32
    %sign3A_20 = arith.cmpi sgt, %add3A_19, %sign3A : i32
    %sign3A_21 = arith.extui %sign3A_20 : i1 to i32
    %sign3A_22 = arith.constant 0 : i32
    %sign3A_23 = arith.cmpi slt, %add3A_19, %sign3A_22 : i32
    %sign3A_24 = arith.extui %sign3A_23 : i1 to i32
    %sign3A_25 = arith.subi %sign3A_21, %sign3A_24 : i32
    %sign3A_26 = arith.constant 0 : i32
    %sign3A_27 = arith.cmpi sgt, %jit3A, %sign3A_26 : i32
    %sign3A_28 = arith.extui %sign3A_27 : i1 to i32
    %sign3A_29 = arith.constant 0 : i32
    %sign3A_30 = arith.cmpi slt, %jit3A, %sign3A_29 : i32
    %sign3A_31 = arith.extui %sign3A_30 : i1 to i32
    %sign3A_32 = arith.subi %sign3A_28, %sign3A_31 : i32
    %ne3A = arith.cmpi ne, %sign3A_25, %sign3A_32 : i32
    %rem3A = arith.remsi %add3A_19, %jit3A : i32
    %ne3A_33 = arith.constant 0 : i32
    %ne3A_34 = arith.cmpi ne, %rem3A, %ne3A_33 : i32
    %and3A = arith.andi %ne3A, %ne3A_34 : i1
    %sub3A = arith.constant 1 : i32
    %sub3A_35 = arith.subi %div3A, %sub3A : i32
    %select_n3A = arith.select %and3A, %sub3A_35, %div3A : i32
    %while3A = arith.constant 0 : i32
    %while3A_36 = arith.constant 0 : i32
    %while3A_37 = arith.subi %select_n3A, %while3A : i32
    %while3A_38 = arith.addi %while3A, %while3A_37 : i32
    %while3A_39 = arith.constant 1 : i32
    %while3A_40 = arith.divsi %while3A_37, %while3A_39 : i32
    %while3A_41 = arith.muli %while3A_40, %while3A_39 : i32
    %while3A_42 = arith.addi %while3A, %while3A_41 : i32
    %while3A_43 = arith.constant 1 : i32
    %while3A_44 = scf.for %while3A_50 = %while3A to %while3A_42 step %while3A_43 iter_args(%while3A_51 = %while3A_36) -> (i32)  : i32 {
      %scan3A_52 = arith.constant 0 : i32
      %scan3A_53 = arith.constant 0 : i32
      %scan3A_54 = arith.constant 8 : i32
      %scan3A_55 = arith.addi %scan3A_53, %scan3A_54 : i32
      %scan3A_56 = arith.constant 1 : i32
      %scan3A_57 = scf.for %scan3A_70 = %scan3A_53 to %scan3A_55 step %scan3A_56 iter_args(%scan3A_71 = %scan3A_52) -> (i32)  : i32 {
        %mul3A_72 = arith.constant 128 : i32
        %mul3A_73 = arith.muli %while3A_50, %mul3A_72 : i32
        %mul3A_74 = arith.constant 16 : i32
        %mul3A_75 = arith.muli %scan3A_70, %mul3A_74 : i32
        %add3A_76 = arith.addi %mul3A_73, %mul3A_75 : i32
        %get3A = arith.index_cast %add3A_76 : i32 to index
        %get3A_77 = tpu.vector_load %arg10[%get3A] {strides = array<i32>} : memref<5136xi32, #tpu.memory_space<vmem>>, vector<16xi32>,
        %mul3A_78 = arith.constant 16 : i32
        %mul3A_79 = arith.muli %scan3A_70, %mul3A_78 : i32
        %swap3A_80 = arith.index_cast %mul3A_79 : i32 to index
        %swap3A_81 = tpu.vector_load %arg12[%swap3A_80] {strides = array<i32>} : memref<128xi32, #tpu.memory_space<vmem>>, vector<16xi32>,
        tpu.vector_store %arg12[%swap3A_80], %get3A_77 {strides = array<i32>} : memref<128xi32, #tpu.memory_space<vmem>>, vector<16xi32>,
        %scan3A_82 = arith.constant 0 : i32
        scf.yield %scan3A_82 : i32
      }
      %scan3A_58 = arith.constant 8 : i32
      %dma_start3A = arith.constant 0 : i32
      %dma_start3A_59 = arith.constant 0 : i32
      %dma_start3A_60 = tpu.memref_slice %arg4[%dma_start3A, %dma_start3A_59] : memref<160000x80xf32, #tpu.memory_space<hbm>> -> memref<160000x80xf32, #tpu.memory_space<hbm>>
      tpu.enqueue_indirect_dma source(%dma_start3A_60 : memref<160000x80xf32, #tpu.memory_space<hbm>>) target(%arg13 : memref<128x80xf32, #tpu.memory_space<vmem>>) offsets(%arg12 : memref<128xi32, #tpu.memory_space<vmem>>) semaphore(%arg15 : memref<!tpu.dma_semaphore, #tpu.memory_space<semaphore_mem>>)
      %dma_wait3A = arith.constant 0 : i32
      %dma_wait3A_61 = arith.constant 0 : i32
      %dma_wait3A_62 = tpu.memref_slice %arg4[%dma_wait3A, %dma_wait3A_61] : memref<160000x80xf32, #tpu.memory_space<hbm>> -> memref<160000x80xf32, #tpu.memory_space<hbm>>
      tpu.wait_indirect_dma semaphore(%arg15 : memref<!tpu.dma_semaphore, #tpu.memory_space<semaphore_mem>>) src(%dma_wait3A_62 : memref<160000x80xf32, #tpu.memory_space<hbm>>) dst(%arg13 : memref<128x80xf32, #tpu.memory_space<vmem>>)
      %mul3A_63 = arith.constant 128 : i32
      %mul3A_64 = arith.muli %while3A_50, %mul3A_63 : i32
      "tpu.region"() ({
        %run_scoped3A = tpu.sem_alloc : memref<!tpu.dma_semaphore, #tpu.memory_space<semaphore_mem>>
        %dma_start3A_70 = arith.constant 0 : i32
        %dma_start3A_71 = tpu.memref_slice %arg5[%add3A, %mul3A_64, %dma_start3A_70] : memref<32x5120x80xf32, #tpu.memory_space<hbm>> -> memref<1x128x80xf32, #tpu.memory_space<hbm>>
        %dma_start3A_72 = tpu.memref_squeeze %dma_start3A_71 : memref<1x128x80xf32, #tpu.memory_space<hbm>> -> memref<128x80xf32, #tpu.memory_space<hbm>>
        %dma_start3A_73 = arith.constant 0 : i32
        %dma_start3A_74 = tpu.memref_slice %arg5[%add3A, %mul3A_64, %dma_start3A_73] : memref<32x5120x80xf32, #tpu.memory_space<hbm>> -> memref<1x128x80xf32, #tpu.memory_space<hbm>>
        %dma_start3A_75 = tpu.memref_squeeze %dma_start3A_74 : memref<1x128x80xf32, #tpu.memory_space<hbm>> -> memref<128x80xf32, #tpu.memory_space<hbm>>
        tpu.enqueue_dma source(%arg13 : memref<128x80xf32, #tpu.memory_space<vmem>>) target(%dma_start3A_75 : memref<128x80xf32, #tpu.memory_space<hbm>>) target_semaphore(%run_scoped3A : memref<!tpu.dma_semaphore, #tpu.memory_space<semaphore_mem>>)
        %dma_wait3A_76 = arith.constant 0 : i32
        %dma_wait3A_77 = tpu.memref_slice %arg5[%add3A, %mul3A_64, %dma_wait3A_76] : memref<32x5120x80xf32, #tpu.memory_space<hbm>> -> memref<1x128x80xf32, #tpu.memory_space<hbm>>
        %dma_wait3A_78 = tpu.memref_squeeze %dma_wait3A_77 : memref<1x128x80xf32, #tpu.memory_space<hbm>> -> memref<128x80xf32, #tpu.memory_space<hbm>>
        %dma_wait3A_79 = arith.constant 0 : i32
        %dma_wait3A_80 = tpu.memref_slice %arg5[%add3A, %mul3A_64, %dma_wait3A_79] : memref<32x5120x80xf32, #tpu.memory_space<hbm>> -> memref<1x128x80xf32, #tpu.memory_space<hbm>>
        %dma_wait3A_81 = tpu.memref_squeeze %dma_wait3A_80 : memref<1x128x80xf32, #tpu.memory_space<hbm>> -> memref<128x80xf32, #tpu.memory_space<hbm>>
        tpu.wait_dma2 semaphore(%run_scoped3A : memref<!tpu.dma_semaphore, #tpu.memory_space<semaphore_mem>>) src(%arg13 : memref<128x80xf32, #tpu.memory_space<vmem>>) dst(%dma_wait3A_81 : memref<128x80xf32, #tpu.memory_space<hbm>>)
        tpu.yield
      }) : () -> ()
      %mul3A_65 = arith.constant 128 : i32
      %mul3A_66 = arith.muli %while3A_50, %mul3A_65 : i32
      %mul3A_67 = arith.constant 128 : i32
      %mul3A_68 = arith.muli %while3A_50, %mul3A_67 : i32
      "tpu.region"() ({
        %run_scoped3A = tpu.sem_alloc : memref<!tpu.dma_semaphore, #tpu.memory_space<semaphore_mem>>
        %dma_start3A_70 = tpu.memref_slice %arg11[%mul3A_66] : memref<5136xf32, #tpu.memory_space<vmem>> -> memref<128xf32, #tpu.memory_space<vmem>>
        %dma_start3A_71 = tpu.memref_slice %arg6[%add3A, %mul3A_68] : memref<32x5120xf32, #tpu.memory_space<hbm>> -> memref<1x128xf32, #tpu.memory_space<hbm>>
        %dma_start3A_72 = tpu.memref_squeeze %dma_start3A_71 : memref<1x128xf32, #tpu.memory_space<hbm>> -> memref<128xf32, #tpu.memory_space<hbm>>
        %dma_start3A_73 = tpu.memref_slice %arg6[%add3A, %mul3A_68] : memref<32x5120xf32, #tpu.memory_space<hbm>> -> memref<1x128xf32, #tpu.memory_space<hbm>>
        %dma_start3A_74 = tpu.memref_squeeze %dma_start3A_73 : memref<1x128xf32, #tpu.memory_space<hbm>> -> memref<128xf32, #tpu.memory_space<hbm>>
        %dma_start3A_75 = tpu.memref_slice %arg11[%mul3A_66] : memref<5136xf32, #tpu.memory_space<vmem>> -> memref<128xf32, #tpu.memory_space<vmem>>
        tpu.enqueue_dma source(%dma_start3A_75 : memref<128xf32, #tpu.memory_space<vmem>>) target(%dma_start3A_74 : memref<128xf32, #tpu.memory_space<hbm>>) target_semaphore(%run_scoped3A : memref<!tpu.dma_semaphore, #tpu.memory_space<semaphore_mem>>)
        %dma_wait3A_76 = tpu.memref_slice %arg11[%mul3A_66] : memref<5136xf32, #tpu.memory_space<vmem>> -> memref<128xf32, #tpu.memory_space<vmem>>
        %dma_wait3A_77 = tpu.memref_slice %arg6[%add3A, %mul3A_68] : memref<32x5120xf32, #tpu.memory_space<hbm>> -> memref<1x128xf32, #tpu.memory_space<hbm>>
        %dma_wait3A_78 = tpu.memref_squeeze %dma_wait3A_77 : memref<1x128xf32, #tpu.memory_space<hbm>> -> memref<128xf32, #tpu.memory_space<hbm>>
        %dma_wait3A_79 = tpu.memref_slice %arg6[%add3A, %mul3A_68] : memref<32x5120xf32, #tpu.memory_space<hbm>> -> memref<1x128xf32, #tpu.memory_space<hbm>>
        %dma_wait3A_80 = tpu.memref_squeeze %dma_wait3A_79 : memref<1x128xf32, #tpu.memory_space<hbm>> -> memref<128xf32, #tpu.memory_space<hbm>>
        %dma_wait3A_81 = tpu.memref_slice %arg11[%mul3A_66] : memref<5136xf32, #tpu.memory_space<vmem>> -> memref<128xf32, #tpu.memory_space<vmem>>
        tpu.wait_dma2 semaphore(%run_scoped3A : memref<!tpu.dma_semaphore, #tpu.memory_space<semaphore_mem>>) src(%dma_wait3A_81 : memref<128xf32, #tpu.memory_space<vmem>>) dst(%dma_wait3A_80 : memref<128xf32, #tpu.memory_space<hbm>>)
        tpu.yield
      }) : () -> ()
      %while3A_69 = arith.constant 0 : i32
      scf.yield %while3A_69 : i32
    }
    %while3A_45 = arith.constant 1 : i32
    %while3A_46 = scf.for %while3A_50 = %while3A_42 to %while3A_38 step %while3A_45 iter_args(%while3A_51 = %while3A_44) -> (i32)  : i32 {
      %scan3A_52 = arith.constant 0 : i32
      %scan3A_53 = arith.constant 0 : i32
      %scan3A_54 = arith.constant 8 : i32
      %scan3A_55 = arith.addi %scan3A_53, %scan3A_54 : i32
      %scan3A_56 = arith.constant 1 : i32
      %scan3A_57 = scf.for %scan3A_70 = %scan3A_53 to %scan3A_55 step %scan3A_56 iter_args(%scan3A_71 = %scan3A_52) -> (i32)  : i32 {
        %mul3A_72 = arith.constant 128 : i32
        %mul3A_73 = arith.muli %while3A_50, %mul3A_72 : i32
        %mul3A_74 = arith.constant 16 : i32
        %mul3A_75 = arith.muli %scan3A_70, %mul3A_74 : i32
        %add3A_76 = arith.addi %mul3A_73, %mul3A_75 : i32
        %get3A = arith.index_cast %add3A_76 : i32 to index
        %get3A_77 = tpu.vector_load %arg10[%get3A] {strides = array<i32>} : memref<5136xi32, #tpu.memory_space<vmem>>, vector<16xi32>,
        %mul3A_78 = arith.constant 16 : i32
        %mul3A_79 = arith.muli %scan3A_70, %mul3A_78 : i32
        %swap3A_80 = arith.index_cast %mul3A_79 : i32 to index
        %swap3A_81 = tpu.vector_load %arg12[%swap3A_80] {strides = array<i32>} : memref<128xi32, #tpu.memory_space<vmem>>, vector<16xi32>,
        tpu.vector_store %arg12[%swap3A_80], %get3A_77 {strides = array<i32>} : memref<128xi32, #tpu.memory_space<vmem>>, vector<16xi32>,
        %scan3A_82 = arith.constant 0 : i32
        scf.yield %scan3A_82 : i32
      }
      %scan3A_58 = arith.constant 8 : i32
      %dma_start3A = arith.constant 0 : i32
      %dma_start3A_59 = arith.constant 0 : i32
      %dma_start3A_60 = tpu.memref_slice %arg4[%dma_start3A, %dma_start3A_59] : memref<160000x80xf32, #tpu.memory_space<hbm>> -> memref<160000x80xf32, #tpu.memory_space<hbm>>
      tpu.enqueue_indirect_dma source(%dma_start3A_60 : memref<160000x80xf32, #tpu.memory_space<hbm>>) target(%arg13 : memref<128x80xf32, #tpu.memory_space<vmem>>) offsets(%arg12 : memref<128xi32, #tpu.memory_space<vmem>>) semaphore(%arg15 : memref<!tpu.dma_semaphore, #tpu.memory_space<semaphore_mem>>)
      %dma_wait3A = arith.constant 0 : i32
      %dma_wait3A_61 = arith.constant 0 : i32
      %dma_wait3A_62 = tpu.memref_slice %arg4[%dma_wait3A, %dma_wait3A_61] : memref<160000x80xf32, #tpu.memory_space<hbm>> -> memref<160000x80xf32, #tpu.memory_space<hbm>>
      tpu.wait_indirect_dma semaphore(%arg15 : memref<!tpu.dma_semaphore, #tpu.memory_space<semaphore_mem>>) src(%dma_wait3A_62 : memref<160000x80xf32, #tpu.memory_space<hbm>>) dst(%arg13 : memref<128x80xf32, #tpu.memory_space<vmem>>)
      %mul3A_63 = arith.constant 128 : i32
      %mul3A_64 = arith.muli %while3A_50, %mul3A_63 : i32
      "tpu.region"() ({
        %run_scoped3A = tpu.sem_alloc : memref<!tpu.dma_semaphore, #tpu.memory_space<semaphore_mem>>
        %dma_start3A_70 = arith.constant 0 : i32
        %dma_start3A_71 = tpu.memref_slice %arg5[%add3A, %mul3A_64, %dma_start3A_70] : memref<32x5120x80xf32, #tpu.memory_space<hbm>> -> memref<1x128x80xf32, #tpu.memory_space<hbm>>
        %dma_start3A_72 = tpu.memref_squeeze %dma_start3A_71 : memref<1x128x80xf32, #tpu.memory_space<hbm>> -> memref<128x80xf32, #tpu.memory_space<hbm>>
        %dma_start3A_73 = arith.constant 0 : i32
        %dma_start3A_74 = tpu.memref_slice %arg5[%add3A, %mul3A_64, %dma_start3A_73] : memref<32x5120x80xf32, #tpu.memory_space<hbm>> -> memref<1x128x80xf32, #tpu.memory_space<hbm>>
        %dma_start3A_75 = tpu.memref_squeeze %dma_start3A_74 : memref<1x128x80xf32, #tpu.memory_space<hbm>> -> memref<128x80xf32, #tpu.memory_space<hbm>>
        tpu.enqueue_dma source(%arg13 : memref<128x80xf32, #tpu.memory_space<vmem>>) target(%dma_start3A_75 : memref<128x80xf32, #tpu.memory_space<hbm>>) target_semaphore(%run_scoped3A : memref<!tpu.dma_semaphore, #tpu.memory_space<semaphore_mem>>)
        %dma_wait3A_76 = arith.constant 0 : i32
        %dma_wait3A_77 = tpu.memref_slice %arg5[%add3A, %mul3A_64, %dma_wait3A_76] : memref<32x5120x80xf32, #tpu.memory_space<hbm>> -> memref<1x128x80xf32, #tpu.memory_space<hbm>>
        %dma_wait3A_78 = tpu.memref_squeeze %dma_wait3A_77 : memref<1x128x80xf32, #tpu.memory_space<hbm>> -> memref<128x80xf32, #tpu.memory_space<hbm>>
        %dma_wait3A_79 = arith.constant 0 : i32
        %dma_wait3A_80 = tpu.memref_slice %arg5[%add3A, %mul3A_64, %dma_wait3A_79] : memref<32x5120x80xf32, #tpu.memory_space<hbm>> -> memref<1x128x80xf32, #tpu.memory_space<hbm>>
        %dma_wait3A_81 = tpu.memref_squeeze %dma_wait3A_80 : memref<1x128x80xf32, #tpu.memory_space<hbm>> -> memref<128x80xf32, #tpu.memory_space<hbm>>
        tpu.wait_dma2 semaphore(%run_scoped3A : memref<!tpu.dma_semaphore, #tpu.memory_space<semaphore_mem>>) src(%arg13 : memref<128x80xf32, #tpu.memory_space<vmem>>) dst(%dma_wait3A_81 : memref<128x80xf32, #tpu.memory_space<hbm>>)
        tpu.yield
      }) : () -> ()
      %mul3A_65 = arith.constant 128 : i32
      %mul3A_66 = arith.muli %while3A_50, %mul3A_65 : i32
      %mul3A_67 = arith.constant 128 : i32
      %mul3A_68 = arith.muli %while3A_50, %mul3A_67 : i32
      "tpu.region"() ({
        %run_scoped3A = tpu.sem_alloc : memref<!tpu.dma_semaphore, #tpu.memory_space<semaphore_mem>>
        %dma_start3A_70 = tpu.memref_slice %arg11[%mul3A_66] : memref<5136xf32, #tpu.memory_space<vmem>> -> memref<128xf32, #tpu.memory_space<vmem>>
        %dma_start3A_71 = tpu.memref_slice %arg6[%add3A, %mul3A_68] : memref<32x5120xf32, #tpu.memory_space<hbm>> -> memref<1x128xf32, #tpu.memory_space<hbm>>
        %dma_start3A_72 = tpu.memref_squeeze %dma_start3A_71 : memref<1x128xf32, #tpu.memory_space<hbm>> -> memref<128xf32, #tpu.memory_space<hbm>>
        %dma_start3A_73 = tpu.memref_slice %arg6[%add3A, %mul3A_68] : memref<32x5120xf32, #tpu.memory_space<hbm>> -> memref<1x128xf32, #tpu.memory_space<hbm>>
        %dma_start3A_74 = tpu.memref_squeeze %dma_start3A_73 : memref<1x128xf32, #tpu.memory_space<hbm>> -> memref<128xf32, #tpu.memory_space<hbm>>
        %dma_start3A_75 = tpu.memref_slice %arg11[%mul3A_66] : memref<5136xf32, #tpu.memory_space<vmem>> -> memref<128xf32, #tpu.memory_space<vmem>>
        tpu.enqueue_dma source(%dma_start3A_75 : memref<128xf32, #tpu.memory_space<vmem>>) target(%dma_start3A_74 : memref<128xf32, #tpu.memory_space<hbm>>) target_semaphore(%run_scoped3A : memref<!tpu.dma_semaphore, #tpu.memory_space<semaphore_mem>>)
        %dma_wait3A_76 = tpu.memref_slice %arg11[%mul3A_66] : memref<5136xf32, #tpu.memory_space<vmem>> -> memref<128xf32, #tpu.memory_space<vmem>>
        %dma_wait3A_77 = tpu.memref_slice %arg6[%add3A, %mul3A_68] : memref<32x5120xf32, #tpu.memory_space<hbm>> -> memref<1x128xf32, #tpu.memory_space<hbm>>
        %dma_wait3A_78 = tpu.memref_squeeze %dma_wait3A_77 : memref<1x128xf32, #tpu.memory_space<hbm>> -> memref<128xf32, #tpu.memory_space<hbm>>
        %dma_wait3A_79 = tpu.memref_slice %arg6[%add3A, %mul3A_68] : memref<32x5120xf32, #tpu.memory_space<hbm>> -> memref<1x128xf32, #tpu.memory_space<hbm>>
        %dma_wait3A_80 = tpu.memref_squeeze %dma_wait3A_79 : memref<1x128xf32, #tpu.memory_space<hbm>> -> memref<128xf32, #tpu.memory_space<hbm>>
        %dma_wait3A_81 = tpu.memref_slice %arg11[%mul3A_66] : memref<5136xf32, #tpu.memory_space<vmem>> -> memref<128xf32, #tpu.memory_space<vmem>>
        tpu.wait_dma2 semaphore(%run_scoped3A : memref<!tpu.dma_semaphore, #tpu.memory_space<semaphore_mem>>) src(%dma_wait3A_81 : memref<128xf32, #tpu.memory_space<vmem>>) dst(%dma_wait3A_80 : memref<128xf32, #tpu.memory_space<hbm>>)
        tpu.yield
      }) : () -> ()
      %while3A_69 = arith.constant 0 : i32
      scf.yield %while3A_69 : i32
    }
    %broadcast_in_dim3A_47 = vector.broadcast %scan3A_16 : i32 to vector<16xi32>
    %swap3A_48 = arith.constant 0 : index
    %swap3A_49 = tpu.vector_load %arg14[%swap3A_48] {strides = array<i32>} : memref<16xi32, #tpu.memory_space<vmem>>, vector<16xi32>,
    tpu.vector_store %arg14[%swap3A_48], %broadcast_in_dim3A_47 {strides = array<i32>} : memref<16xi32, #tpu.memory_space<vmem>>, vector<16xi32>,
    "tpu.region"() ({
      %run_scoped3A = tpu.sem_alloc : memref<!tpu.dma_semaphore, #tpu.memory_space<semaphore_mem>>
      %dma_start3A = arith.constant 0 : i32
      %dma_start3A_50 = tpu.memref_slice %arg7[%add3A, %dma_start3A] : memref<32x16xi32, #tpu.memory_space<hbm>> -> memref<1x16xi32, #tpu.memory_space<hbm>>
      %dma_start3A_51 = tpu.memref_squeeze %dma_start3A_50 : memref<1x16xi32, #tpu.memory_space<hbm>> -> memref<16xi32, #tpu.memory_space<hbm>>
      %dma_start3A_52 = arith.constant 0 : i32
      %dma_start3A_53 = tpu.memref_slice %arg7[%add3A, %dma_start3A_52] : memref<32x16xi32, #tpu.memory_space<hbm>> -> memref<1x16xi32, #tpu.memory_space<hbm>>
      %dma_start3A_54 = tpu.memref_squeeze %dma_start3A_53 : memref<1x16xi32, #tpu.memory_space<hbm>> -> memref<16xi32, #tpu.memory_space<hbm>>
      tpu.enqueue_dma source(%arg14 : memref<16xi32, #tpu.memory_space<vmem>>) target(%dma_start3A_54 : memref<16xi32, #tpu.memory_space<hbm>>) target_semaphore(%run_scoped3A : memref<!tpu.dma_semaphore, #tpu.memory_space<semaphore_mem>>)
      %dma_wait3A = arith.constant 0 : i32
      %dma_wait3A_55 = tpu.memref_slice %arg7[%add3A, %dma_wait3A] : memref<32x16xi32, #tpu.memory_space<hbm>> -> memref<1x16xi32, #tpu.memory_space<hbm>>
      %dma_wait3A_56 = tpu.memref_squeeze %dma_wait3A_55 : memref<1x16xi32, #tpu.memory_space<hbm>> -> memref<16xi32, #tpu.memory_space<hbm>>
      %dma_wait3A_57 = arith.constant 0 : i32
      %dma_wait3A_58 = tpu.memref_slice %arg7[%add3A, %dma_wait3A_57] : memref<32x16xi32, #tpu.memory_space<hbm>> -> memref<1x16xi32, #tpu.memory_space<hbm>>
      %dma_wait3A_59 = tpu.memref_squeeze %dma_wait3A_58 : memref<1x16xi32, #tpu.memory_space<hbm>> -> memref<16xi32, #tpu.memory_space<hbm>>
      tpu.wait_dma2 semaphore(%run_scoped3A : memref<!tpu.dma_semaphore, #tpu.memory_space<semaphore_mem>>) src(%arg14 : memref<16xi32, #tpu.memory_space<vmem>>) dst(%dma_wait3A_59 : memref<16xi32, #tpu.memory_space<hbm>>)
      tpu.yield
    }) : () -> ()
    return
  }
}

module attributes {stable_mosaic.version = 14 : i64} {
  func.func @_k1_block(%arg0: i32, %arg1: i32, %arg2: memref<4x1x1x4000xf32, #tpu.memory_space<vmem>>, %arg3: memref<1x100x4xf32, #tpu.memory_space<vmem>>, %arg4: memref<1x4x100xf32, #tpu.memory_space<vmem>>, %arg5: memref<1x100x80xf32, #tpu.memory_space<vmem>>, %arg6: memref<1x1x1x4000xf32, #tpu.memory_space<vmem>>, %arg7: memref<1x4x1x1x4000xf32, #tpu.memory_space<vmem>>, %arg8: memref<8x8x128xf32, #tpu.memory_space<vmem>>, %arg9: memref<1x1x1x4000xf32, #tpu.memory_space<vmem>>, %arg10: memref<1x1x1x4000xf32, #tpu.memory_space<vmem>>) attributes {dimension_semantics = [#tpu.dimension_semantics<arbitrary>, #tpu.dimension_semantics<arbitrary>], iteration_bounds = array<i64: 8, 5>, scalar_prefetch = 0 : i64, scratch_operands = 0 : i64, tpu.core_type = #tpu.core_type<tc>, window_params = [{transform_indices = @transform_0, window_bounds = array<i64: 4, 1, 1, 4000>}, {transform_indices = @transform_1, window_bounds = array<i64: 1, 100, 4>}, {transform_indices = @transform_2, window_bounds = array<i64: 1, 4, 100>}, {transform_indices = @transform_3, window_bounds = array<i64: 1, 100, 80>}, {transform_indices = @transform_4, window_bounds = array<i64: 1, 1, 1, 4000>}, {transform_indices = @transform_5, window_bounds = array<i64: 1, 4, 1, 1, 4000>}, {pipeline_mode = #tpu.pipeline_mode<synchronous>, transform_indices = @transform_6, window_bounds = array<i64: 8, 8, 128>}, {transform_indices = @transform_7, window_bounds = array<i64: 1, 1, 1, 4000>}, {transform_indices = @transform_8, window_bounds = array<i64: 1, 1, 1, 4000>}]} {
    %get3A = arith.constant 0 : index
    %get3A_0 = arith.constant 0 : index
    %get3A_1 = arith.constant 0 : index
    %get3A_2 = arith.constant 0 : index
    %get3A_3 = vector.load %arg2[%get3A, %get3A_0, %get3A_1, %get3A_2] : memref<4x1x1x4000xf32, #tpu.memory_space<vmem>>, vector<4x1x1x4000xf32>
    %get3A_4 = arith.constant 0 : index
    %get3A_5 = arith.constant 0 : index
    %get3A_6 = arith.constant 0 : index
    %get3A_7 = vector.load %arg3[%get3A_4, %get3A_5, %get3A_6] : memref<1x100x4xf32, #tpu.memory_space<vmem>>, vector<1x100x4xf32>
    %get3A_8 = vector.shape_cast %get3A_7 : vector<1x100x4xf32> to vector<100x4xf32>
    %get3A_9 = arith.constant 0 : index
    %get3A_10 = arith.constant 0 : index
    %get3A_11 = arith.constant 0 : index
    %get3A_12 = vector.load %arg4[%get3A_9, %get3A_10, %get3A_11] : memref<1x4x100xf32, #tpu.memory_space<vmem>>, vector<1x4x100xf32>
    %get3A_13 = vector.shape_cast %get3A_12 : vector<1x4x100xf32> to vector<4x100xf32>
    %get3A_14 = arith.constant 0 : index
    %get3A_15 = arith.constant 0 : index
    %get3A_16 = arith.constant 0 : index
    %get3A_17 = vector.load %arg5[%get3A_14, %get3A_15, %get3A_16] : memref<1x100x80xf32, #tpu.memory_space<vmem>>, vector<1x100x80xf32>
    %get3A_18 = vector.shape_cast %get3A_17 : vector<1x100x80xf32> to vector<100x80xf32>
    %get3A_19 = arith.constant 0 : index
    %get3A_20 = arith.constant 0 : index
    %get3A_21 = arith.constant 0 : index
    %get3A_22 = arith.constant 0 : index
    %get3A_23 = vector.load %arg6[%get3A_19, %get3A_20, %get3A_21, %get3A_22] : memref<1x1x1x4000xf32, #tpu.memory_space<vmem>>, vector<1x1x1x4000xf32>
    %get3A_24 = vector.shape_cast %get3A_23 : vector<1x1x1x4000xf32> to vector<1x4000xf32>
    %get3A_25 = arith.constant 0 : index
    %get3A_26 = arith.constant 0 : index
    %get3A_27 = arith.constant 0 : index
    %get3A_28 = arith.constant 0 : index
    %get3A_29 = arith.constant 0 : index
    %get3A_30 = vector.load %arg7[%get3A_25, %get3A_26, %get3A_27, %get3A_28, %get3A_29] : memref<1x4x1x1x4000xf32, #tpu.memory_space<vmem>>, vector<1x4x1x1x4000xf32>
    %get3A_31 = vector.shape_cast %get3A_30 : vector<1x4x1x1x4000xf32> to vector<4x1x1x4000xf32>
    %slice3A = vector.extract_strided_slice %get3A_3 {offsets = [0, 0, 0, 0], sizes = [1, 1, 1, 4000], strides = [1, 1, 1, 1]} : vector<4x1x1x4000xf32> to vector<1x1x1x4000xf32>
    %squeeze3A = vector.shape_cast %slice3A : vector<1x1x1x4000xf32> to vector<1x4000xf32>
    %slice3A_32 = vector.extract_strided_slice %get3A_3 {offsets = [1, 0, 0, 0], sizes = [1, 1, 1, 4000], strides = [1, 1, 1, 1]} : vector<4x1x1x4000xf32> to vector<1x1x1x4000xf32>
    %squeeze3A_33 = vector.shape_cast %slice3A_32 : vector<1x1x1x4000xf32> to vector<1x4000xf32>
    %slice3A_34 = vector.extract_strided_slice %get3A_3 {offsets = [2, 0, 0, 0], sizes = [1, 1, 1, 4000], strides = [1, 1, 1, 1]} : vector<4x1x1x4000xf32> to vector<1x1x1x4000xf32>
    %squeeze3A_35 = vector.shape_cast %slice3A_34 : vector<1x1x1x4000xf32> to vector<1x4000xf32>
    %slice3A_36 = vector.extract_strided_slice %get3A_3 {offsets = [3, 0, 0, 0], sizes = [1, 1, 1, 4000], strides = [1, 1, 1, 1]} : vector<4x1x1x4000xf32> to vector<1x1x1x4000xf32>
    %squeeze3A_37 = vector.shape_cast %slice3A_36 : vector<1x1x1x4000xf32> to vector<1x4000xf32>
    %slice3A_38 = vector.extract_strided_slice %get3A_8 {offsets = [0, 0], sizes = [100, 1], strides = [1, 1]} : vector<100x4xf32> to vector<100x1xf32>
    %slice3A_39 = vector.extract_strided_slice %get3A_8 {offsets = [0, 1], sizes = [100, 1], strides = [1, 1]} : vector<100x4xf32> to vector<100x1xf32>
    %slice3A_40 = vector.extract_strided_slice %get3A_8 {offsets = [0, 2], sizes = [100, 1], strides = [1, 1]} : vector<100x4xf32> to vector<100x1xf32>
    %slice3A_41 = vector.extract_strided_slice %get3A_8 {offsets = [0, 3], sizes = [100, 1], strides = [1, 1]} : vector<100x4xf32> to vector<100x1xf32>
    %max3A = vector.broadcast %squeeze3A : vector<1x4000xf32> to vector<100x4000xf32>
    %max3A_42 = vector.broadcast %slice3A_38 : vector<100x1xf32> to vector<100x4000xf32>
    %max3A_43 = arith.maximumf %max3A, %max3A_42 : vector<100x4000xf32>
    %max3A_44 = vector.broadcast %squeeze3A_33 : vector<1x4000xf32> to vector<100x4000xf32>
    %max3A_45 = vector.broadcast %slice3A_39 : vector<100x1xf32> to vector<100x4000xf32>
    %max3A_46 = arith.maximumf %max3A_44, %max3A_45 : vector<100x4000xf32>
    %min3A = vector.broadcast %squeeze3A_35 : vector<1x4000xf32> to vector<100x4000xf32>
    %min3A_47 = vector.broadcast %slice3A_40 : vector<100x1xf32> to vector<100x4000xf32>
    %min3A_48 = arith.minimumf %min3A, %min3A_47 : vector<100x4000xf32>
    %min3A_49 = vector.broadcast %squeeze3A_37 : vector<1x4000xf32> to vector<100x4000xf32>
    %min3A_50 = vector.broadcast %slice3A_41 : vector<100x1xf32> to vector<100x4000xf32>
    %min3A_51 = arith.minimumf %min3A_49, %min3A_50 : vector<100x4000xf32>
    %sub3A = arith.subf %min3A_48, %max3A_43 : vector<100x4000xf32>
    %jit3A = arith.constant 0.000000e+00 : f32
    %max3A_52 = vector.broadcast %jit3A : f32 to vector<100x4000xf32>
    %max3A_53 = arith.maximumf %max3A_52, %sub3A : vector<100x4000xf32>
    %sub3A_54 = arith.subf %min3A_51, %max3A_46 : vector<100x4000xf32>
    %jit3A_55 = arith.constant 0.000000e+00 : f32
    %max3A_56 = vector.broadcast %jit3A_55 : f32 to vector<100x4000xf32>
    %max3A_57 = arith.maximumf %max3A_56, %sub3A_54 : vector<100x4000xf32>
    %mul3A = arith.mulf %max3A_53, %max3A_57 : vector<100x4000xf32>
    %sub3A_58 = arith.subf %squeeze3A_35, %squeeze3A : vector<1x4000xf32>
    %jit3A_59 = arith.constant 0.000000e+00 : f32
    %max3A_60 = vector.broadcast %jit3A_59 : f32 to vector<1x4000xf32>
    %max3A_61 = arith.maximumf %max3A_60, %sub3A_58 : vector<1x4000xf32>
    %sub3A_62 = arith.subf %squeeze3A_37, %squeeze3A_33 : vector<1x4000xf32>
    %jit3A_63 = arith.constant 0.000000e+00 : f32
    %max3A_64 = vector.broadcast %jit3A_63 : f32 to vector<1x4000xf32>
    %max3A_65 = arith.maximumf %max3A_64, %sub3A_62 : vector<1x4000xf32>
    %mul3A_66 = arith.mulf %max3A_61, %max3A_65 : vector<1x4000xf32>
    %sub3A_67 = arith.subf %slice3A_40, %slice3A_38 : vector<100x1xf32>
    %jit3A_68 = arith.constant 0.000000e+00 : f32
    %max3A_69 = vector.broadcast %jit3A_68 : f32 to vector<100x1xf32>
    %max3A_70 = arith.maximumf %max3A_69, %sub3A_67 : vector<100x1xf32>
    %sub3A_71 = arith.subf %slice3A_41, %slice3A_39 : vector<100x1xf32>
    %jit3A_72 = arith.constant 0.000000e+00 : f32
    %max3A_73 = vector.broadcast %jit3A_72 : f32 to vector<100x1xf32>
    %max3A_74 = arith.maximumf %max3A_73, %sub3A_71 : vector<100x1xf32>
    %mul3A_75 = arith.mulf %max3A_70, %max3A_74 : vector<100x1xf32>
    %add3A = vector.broadcast %mul3A_66 : vector<1x4000xf32> to vector<100x4000xf32>
    %add3A_76 = vector.broadcast %mul3A_75 : vector<100x1xf32> to vector<100x4000xf32>
    %add3A_77 = arith.addf %add3A, %add3A_76 : vector<100x4000xf32>
    %sub3A_78 = arith.subf %add3A_77, %mul3A : vector<100x4000xf32>
    %add3A_79 = arith.constant 1.000000e-07 : f32
    %add3A_80 = vector.broadcast %add3A_79 : f32 to vector<100x4000xf32>
    %add3A_81 = arith.addf %sub3A_78, %add3A_80 : vector<100x4000xf32>
    %div3A = arith.divf %mul3A, %add3A_81 : vector<100x4000xf32>
    %reduce_max3A = arith.constant dense<0xFF800000> : vector<4000xf32>
    %reduce_max3A_82 = vector.multi_reduction <maximumf>, %div3A, %reduce_max3A [0] : vector<100x4000xf32> to vector<4000xf32>
    %broadcast_in_dim3A = vector.shape_cast %reduce_max3A_82 : vector<4000xf32> to vector<1x4000xf32>
    %ge3A = arith.constant 5.000000e-01 : f32
    %ge3A_83 = vector.broadcast %ge3A : f32 to vector<1x4000xf32>
    %ge3A_84 = arith.cmpf oge, %broadcast_in_dim3A, %ge3A_83 : vector<1x4000xf32>
    %lt3A = arith.constant 4.000000e-01 : f32
    %lt3A_85 = vector.broadcast %lt3A : f32 to vector<1x4000xf32>
    %lt3A_86 = arith.cmpf olt, %broadcast_in_dim3A, %lt3A_85 : vector<1x4000xf32>
    %convert_element_type3A = arith.extui %ge3A_84 : vector<1x4000xi1> to vector<1x4000xi32>
    %convert_element_type3A_87 = arith.sitofp %convert_element_type3A : vector<1x4000xi32> to vector<1x4000xf32>
    %or3A = arith.ori %ge3A_84, %lt3A_86 : vector<1x4000xi1>
    %convert_element_type3A_88 = arith.extui %or3A : vector<1x4000xi1> to vector<1x4000xi32>
    %convert_element_type3A_89 = arith.sitofp %convert_element_type3A_88 : vector<1x4000xi32> to vector<1x4000xf32>
    %eq3A = vector.broadcast %broadcast_in_dim3A : vector<1x4000xf32> to vector<100x4000xf32>
    %eq3A_90 = arith.cmpf oeq, %div3A, %eq3A : vector<100x4000xf32>
    %convert_element_type3A_91 = arith.extui %eq3A_90 : vector<100x4000xi1> to vector<100x4000xi32>
    %convert_element_type3A_92 = arith.sitofp %convert_element_type3A_91 : vector<100x4000xi32> to vector<100x4000xf32>
    %mul3A_93 = vector.broadcast %convert_element_type3A_87 : vector<1x4000xf32> to vector<100x4000xf32>
    %mul3A_94 = arith.mulf %convert_element_type3A_92, %mul3A_93 : vector<100x4000xf32>
    %jit3A_95 = arith.constant 1.000000e-07 : f32
    %jit3A_96 = arith.constant 0.99999988 : f32
    %max3A_97 = vector.broadcast %jit3A_95 : f32 to vector<1x4000xf32>
    %max3A_98 = arith.maximumf %max3A_97, %get3A_24 : vector<1x4000xf32>
    %min3A_99 = vector.broadcast %jit3A_96 : f32 to vector<1x4000xf32>
    %min3A_100 = arith.minimumf %min3A_99, %max3A_98 : vector<1x4000xf32>
    %log3A = math.log %min3A_100 : vector<1x4000xf32>
    %mul3A_101 = arith.mulf %convert_element_type3A_87, %log3A : vector<1x4000xf32>
    %sub3A_102 = arith.constant 1.000000e+00 : f32
    %sub3A_103 = vector.broadcast %sub3A_102 : f32 to vector<1x4000xf32>
    %sub3A_104 = arith.subf %sub3A_103, %convert_element_type3A_87 : vector<1x4000xf32>
    %sub3A_105 = arith.constant 1.000000e+00 : f32
    %sub3A_106 = vector.broadcast %sub3A_105 : f32 to vector<1x4000xf32>
    %sub3A_107 = arith.subf %sub3A_106, %min3A_100 : vector<1x4000xf32>
    %log3A_108 = math.log %sub3A_107 : vector<1x4000xf32>
    %mul3A_109 = arith.mulf %sub3A_104, %log3A_108 : vector<1x4000xf32>
    %add3A_110 = arith.addf %mul3A_101, %mul3A_109 : vector<1x4000xf32>
    %neg3A = arith.constant 0.000000e+00 : f32
    %neg3A_111 = vector.broadcast %neg3A : f32 to vector<1x4000xf32>
    %neg3A_112 = arith.subf %neg3A_111, %add3A_110 : vector<1x4000xf32>
    %mul3A_113 = arith.mulf %neg3A_112, %convert_element_type3A_89 : vector<1x4000xf32>
    %reduce_sum3A = vector.shape_cast %mul3A_113 : vector<1x4000xf32> to vector<1x1x4000xf32>
    %reduce_sum3A_114 = arith.constant dense<0.000000e+00> : vector<1xf32>
    %reduce_sum3A_115 = vector.multi_reduction <add>, %reduce_sum3A, %reduce_sum3A_114 [1, 2] : vector<1x1x4000xf32> to vector<1xf32>
    %reduce_sum3A_116 = vector.shape_cast %reduce_sum3A_115 : vector<1xf32> to vector<1x1x1xf32>
    %reduce_sum3A_117 = vector.extract %reduce_sum3A_116[0, 0, 0] : f32 from vector<1x1x1xf32>
    %iota3A = tpu.iota {dimensions = array<i32: 0>} : vector<80x1xi32>
    %convert_element_type3A_118 = arith.sitofp %iota3A : vector<80x1xi32> to vector<80x1xf32>
    %dot_general3A = arith.constant dense<0.000000e+00> : vector<100x1xf32>
    %dot_general3A_119 = tpu.matmul %get3A_18, %convert_element_type3A_118, %dot_general3A {dimension_numbers = #tpu.dot_dimension_numbers<[1], [0], [0], [1], [0, 0, 1, 1], [], []>, transpose_lhs_hint = false} : vector<100x80xf32>, vector<80x1xf32>, vector<100x1xf32> -> vector<100x1xf32>
    %dot_general3A_120 = arith.constant dense<0.000000e+00> : vector<1x4000xf32>
    %dot_general3A_121 = tpu.matmul %dot_general3A_119, %mul3A_94, %dot_general3A_120 {dimension_numbers = #tpu.dot_dimension_numbers<[0], [0], [1], [1], [0, 1, 1, 1], [], []>, transpose_lhs_hint = false} : vector<100x1xf32>, vector<100x4000xf32>, vector<1x4000xf32> -> vector<1x4000xf32>
    %dot_general3A_122 = arith.constant dense<0.000000e+00> : vector<4x4000xf32>
    %dot_general3A_123 = tpu.matmul %get3A_13, %mul3A_94, %dot_general3A_122 {dimension_numbers = #tpu.dot_dimension_numbers<[1], [0], [0], [1], [0, 0, 1, 1], [], []>, transpose_lhs_hint = false} : vector<4x100xf32>, vector<100x4000xf32>, vector<4x4000xf32> -> vector<4x4000xf32>
    %slice3A_124 = vector.extract_strided_slice %dot_general3A_123 {offsets = [0, 0], sizes = [1, 4000], strides = [1, 1]} : vector<4x4000xf32> to vector<1x4000xf32>
    %slice3A_125 = vector.extract_strided_slice %dot_general3A_123 {offsets = [1, 0], sizes = [1, 4000], strides = [1, 1]} : vector<4x4000xf32> to vector<1x4000xf32>
    %slice3A_126 = vector.extract_strided_slice %dot_general3A_123 {offsets = [2, 0], sizes = [1, 4000], strides = [1, 1]} : vector<4x4000xf32> to vector<1x4000xf32>
    %slice3A_127 = vector.extract_strided_slice %dot_general3A_123 {offsets = [3, 0], sizes = [1, 4000], strides = [1, 1]} : vector<4x4000xf32> to vector<1x4000xf32>
    %slice3A_128 = vector.extract_strided_slice %get3A_31 {offsets = [0, 0, 0, 0], sizes = [1, 1, 1, 4000], strides = [1, 1, 1, 1]} : vector<4x1x1x4000xf32> to vector<1x1x1x4000xf32>
    %squeeze3A_129 = vector.shape_cast %slice3A_128 : vector<1x1x1x4000xf32> to vector<1x4000xf32>
    %slice3A_130 = vector.extract_strided_slice %get3A_31 {offsets = [1, 0, 0, 0], sizes = [1, 1, 1, 4000], strides = [1, 1, 1, 1]} : vector<4x1x1x4000xf32> to vector<1x1x1x4000xf32>
    %squeeze3A_131 = vector.shape_cast %slice3A_130 : vector<1x1x1x4000xf32> to vector<1x4000xf32>
    %slice3A_132 = vector.extract_strided_slice %get3A_31 {offsets = [2, 0, 0, 0], sizes = [1, 1, 1, 4000], strides = [1, 1, 1, 1]} : vector<4x1x1x4000xf32> to vector<1x1x1x4000xf32>
    %squeeze3A_133 = vector.shape_cast %slice3A_132 : vector<1x1x1x4000xf32> to vector<1x4000xf32>
    %slice3A_134 = vector.extract_strided_slice %get3A_31 {offsets = [3, 0, 0, 0], sizes = [1, 1, 1, 4000], strides = [1, 1, 1, 1]} : vector<4x1x1x4000xf32> to vector<1x1x1x4000xf32>
    %squeeze3A_135 = vector.shape_cast %slice3A_134 : vector<1x1x1x4000xf32> to vector<1x4000xf32>
    %sub3A_136 = arith.subf %slice3A_126, %slice3A_124 : vector<1x4000xf32>
    %jit3A_137 = arith.constant 0.000000e+00 : f32
    %max3A_138 = vector.broadcast %jit3A_137 : f32 to vector<1x4000xf32>
    %max3A_139 = arith.maximumf %max3A_138, %sub3A_136 : vector<1x4000xf32>
    %sub3A_140 = arith.subf %slice3A_127, %slice3A_125 : vector<1x4000xf32>
    %jit3A_141 = arith.constant 0.000000e+00 : f32
    %max3A_142 = vector.broadcast %jit3A_141 : f32 to vector<1x4000xf32>
    %max3A_143 = arith.maximumf %max3A_142, %sub3A_140 : vector<1x4000xf32>
    %sub3A_144 = arith.subf %squeeze3A_133, %squeeze3A_129 : vector<1x4000xf32>
    %jit3A_145 = arith.constant 0.000000e+00 : f32
    %max3A_146 = vector.broadcast %jit3A_145 : f32 to vector<1x4000xf32>
    %max3A_147 = arith.maximumf %max3A_146, %sub3A_144 : vector<1x4000xf32>
    %sub3A_148 = arith.subf %squeeze3A_135, %squeeze3A_131 : vector<1x4000xf32>
    %jit3A_149 = arith.constant 0.000000e+00 : f32
    %max3A_150 = vector.broadcast %jit3A_149 : f32 to vector<1x4000xf32>
    %max3A_151 = arith.maximumf %max3A_150, %sub3A_148 : vector<1x4000xf32>
    %min3A_152 = arith.minimumf %slice3A_126, %squeeze3A_133 : vector<1x4000xf32>
    %max3A_153 = arith.maximumf %slice3A_124, %squeeze3A_129 : vector<1x4000xf32>
    %sub3A_154 = arith.subf %min3A_152, %max3A_153 : vector<1x4000xf32>
    %jit3A_155 = arith.constant 0.000000e+00 : f32
    %max3A_156 = vector.broadcast %jit3A_155 : f32 to vector<1x4000xf32>
    %max3A_157 = arith.maximumf %max3A_156, %sub3A_154 : vector<1x4000xf32>
    %min3A_158 = arith.minimumf %slice3A_127, %squeeze3A_135 : vector<1x4000xf32>
    %max3A_159 = arith.maximumf %slice3A_125, %squeeze3A_131 : vector<1x4000xf32>
    %sub3A_160 = arith.subf %min3A_158, %max3A_159 : vector<1x4000xf32>
    %jit3A_161 = arith.constant 0.000000e+00 : f32
    %max3A_162 = vector.broadcast %jit3A_161 : f32 to vector<1x4000xf32>
    %max3A_163 = arith.maximumf %max3A_162, %sub3A_160 : vector<1x4000xf32>
    %mul3A_164 = arith.mulf %max3A_157, %max3A_163 : vector<1x4000xf32>
    %mul3A_165 = arith.mulf %max3A_139, %max3A_143 : vector<1x4000xf32>
    %mul3A_166 = arith.mulf %max3A_147, %max3A_151 : vector<1x4000xf32>
    %add3A_167 = arith.addf %mul3A_165, %mul3A_166 : vector<1x4000xf32>
    %sub3A_168 = arith.subf %add3A_167, %mul3A_164 : vector<1x4000xf32>
    %add3A_169 = arith.constant 1.000000e-07 : f32
    %add3A_170 = vector.broadcast %add3A_169 : f32 to vector<1x4000xf32>
    %add3A_171 = arith.addf %sub3A_168, %add3A_170 : vector<1x4000xf32>
    %div3A_172 = arith.divf %mul3A_164, %add3A_171 : vector<1x4000xf32>
    %max3A_173 = arith.maximumf %slice3A_126, %squeeze3A_133 : vector<1x4000xf32>
    %min3A_174 = arith.minimumf %slice3A_124, %squeeze3A_129 : vector<1x4000xf32>
    %sub3A_175 = arith.subf %max3A_173, %min3A_174 : vector<1x4000xf32>
    %max3A_176 = arith.maximumf %slice3A_127, %squeeze3A_135 : vector<1x4000xf32>
    %min3A_177 = arith.minimumf %slice3A_125, %squeeze3A_131 : vector<1x4000xf32>
    %sub3A_178 = arith.subf %max3A_176, %min3A_177 : vector<1x4000xf32>
    %mul3A_179 = arith.mulf %sub3A_175, %sub3A_175 : vector<1x4000xf32>
    %mul3A_180 = arith.mulf %sub3A_178, %sub3A_178 : vector<1x4000xf32>
    %add3A_181 = arith.addf %mul3A_179, %mul3A_180 : vector<1x4000xf32>
    %add3A_182 = arith.constant 1.000000e-07 : f32
    %add3A_183 = vector.broadcast %add3A_182 : f32 to vector<1x4000xf32>
    %add3A_184 = arith.addf %add3A_181, %add3A_183 : vector<1x4000xf32>
    %add3A_185 = arith.addf %slice3A_124, %slice3A_126 : vector<1x4000xf32>
    %sub3A_186 = arith.subf %add3A_185, %squeeze3A_129 : vector<1x4000xf32>
    %sub3A_187 = arith.subf %sub3A_186, %squeeze3A_133 : vector<1x4000xf32>
    %integer_pow3A = arith.mulf %sub3A_187, %sub3A_187 : vector<1x4000xf32>
    %add3A_188 = arith.addf %slice3A_125, %slice3A_127 : vector<1x4000xf32>
    %sub3A_189 = arith.subf %add3A_188, %squeeze3A_131 : vector<1x4000xf32>
    %sub3A_190 = arith.subf %sub3A_189, %squeeze3A_135 : vector<1x4000xf32>
    %integer_pow3A_191 = arith.mulf %sub3A_190, %sub3A_190 : vector<1x4000xf32>
    %add3A_192 = arith.addf %integer_pow3A, %integer_pow3A_191 : vector<1x4000xf32>
    %div3A_193 = arith.constant 4.000000e+00 : f32
    %div3A_194 = vector.broadcast %div3A_193 : f32 to vector<1x4000xf32>
    %div3A_195 = arith.divf %add3A_192, %div3A_194 : vector<1x4000xf32>
    %add3A_196 = arith.constant 1.000000e-07 : f32
    %add3A_197 = vector.broadcast %add3A_196 : f32 to vector<1x4000xf32>
    %add3A_198 = arith.addf %max3A_143, %add3A_197 : vector<1x4000xf32>
    %div3A_199 = arith.divf %max3A_139, %add3A_198 : vector<1x4000xf32>
    %gt3A = arith.constant 1.000000e+00 : f32
    %gt3A_200 = vector.broadcast %gt3A : f32 to vector<1x4000xf32>
    %gt3A_201 = arith.cmpf ogt, %div3A_199, %gt3A_200 : vector<1x4000xf32>
    %max3A_202 = arith.constant 1.000000e+00 : f32
    %max3A_203 = vector.broadcast %max3A_202 : f32 to vector<1x4000xf32>
    %max3A_204 = arith.maximumf %div3A_199, %max3A_203 : vector<1x4000xf32>
    %div3A_205 = arith.constant 1.000000e+00 : f32
    %div3A_206 = vector.broadcast %div3A_205 : f32 to vector<1x4000xf32>
    %div3A_207 = arith.divf %div3A_206, %max3A_204 : vector<1x4000xf32>
    %select_n3A = arith.select %gt3A_201, %div3A_207, %div3A_199 : vector<1x4000xi1>, vector<1x4000xf32>
    %mul3A_208 = arith.mulf %select_n3A, %select_n3A : vector<1x4000xf32>
    %broadcast_in_dim3A_209 = arith.constant 4.45197918E-4 : f32
    %broadcast_in_dim3A_210 = vector.broadcast %broadcast_in_dim3A_209 : f32 to vector<1x4000xf32>
    %mul3A_211 = arith.mulf %broadcast_in_dim3A_210, %mul3A_208 : vector<1x4000xf32>
    %add3A_212 = arith.constant -0.00335367559 : f32
    %add3A_213 = vector.broadcast %add3A_212 : f32 to vector<1x4000xf32>
    %add3A_214 = arith.addf %mul3A_211, %add3A_213 : vector<1x4000xf32>
    %mul3A_215 = arith.mulf %add3A_214, %mul3A_208 : vector<1x4000xf32>
    %add3A_216 = arith.constant 0.0118503794 : f32
    %add3A_217 = vector.broadcast %add3A_216 : f32 to vector<1x4000xf32>
    %add3A_218 = arith.addf %mul3A_215, %add3A_217 : vector<1x4000xf32>
    %mul3A_219 = arith.mulf %add3A_218, %mul3A_208 : vector<1x4000xf32>
    %add3A_220 = arith.constant -0.0266563538 : f32
    %add3A_221 = vector.broadcast %add3A_220 : f32 to vector<1x4000xf32>
    %add3A_222 = arith.addf %mul3A_219, %add3A_221 : vector<1x4000xf32>
    %mul3A_223 = arith.mulf %add3A_222, %mul3A_208 : vector<1x4000xf32>
    %add3A_224 = arith.constant 0.0442830436 : f32
    %add3A_225 = vector.broadcast %add3A_224 : f32 to vector<1x4000xf32>
    %add3A_226 = arith.addf %mul3A_223, %add3A_225 : vector<1x4000xf32>
    %mul3A_227 = arith.mulf %add3A_226, %mul3A_208 : vector<1x4000xf32>
    %add3A_228 = arith.constant -0.0606349744 : f32
    %add3A_229 = vector.broadcast %add3A_228 : f32 to vector<1x4000xf32>
    %add3A_230 = arith.addf %mul3A_227, %add3A_229 : vector<1x4000xf32>
    %mul3A_231 = arith.mulf %add3A_230, %mul3A_208 : vector<1x4000xf32>
    %add3A_232 = arith.constant 0.0751323401 : f32
    %add3A_233 = vector.broadcast %add3A_232 : f32 to vector<1x4000xf32>
    %add3A_234 = arith.addf %mul3A_231, %add3A_233 : vector<1x4000xf32>
    %mul3A_235 = arith.mulf %add3A_234, %mul3A_208 : vector<1x4000xf32>
    %add3A_236 = arith.constant -0.0905436277 : f32
    %add3A_237 = vector.broadcast %add3A_236 : f32 to vector<1x4000xf32>
    %add3A_238 = arith.addf %mul3A_235, %add3A_237 : vector<1x4000xf32>
    %mul3A_239 = arith.mulf %add3A_238, %mul3A_208 : vector<1x4000xf32>
    %add3A_240 = arith.constant 0.111062646 : f32
    %add3A_241 = vector.broadcast %add3A_240 : f32 to vector<1x4000xf32>
    %add3A_242 = arith.addf %mul3A_239, %add3A_241 : vector<1x4000xf32>
    %mul3A_243 = arith.mulf %add3A_242, %mul3A_208 : vector<1x4000xf32>
    %add3A_244 = arith.constant -0.14285332 : f32
    %add3A_245 = vector.broadcast %add3A_244 : f32 to vector<1x4000xf32>
    %add3A_246 = arith.addf %mul3A_243, %add3A_245 : vector<1x4000xf32>
    %mul3A_247 = arith.mulf %add3A_246, %mul3A_208 : vector<1x4000xf32>
    %add3A_248 = arith.constant 0.199999839 : f32
    %add3A_249 = vector.broadcast %add3A_248 : f32 to vector<1x4000xf32>
    %add3A_250 = arith.addf %mul3A_247, %add3A_249 : vector<1x4000xf32>
    %mul3A_251 = arith.mulf %add3A_250, %mul3A_208 : vector<1x4000xf32>
    %add3A_252 = arith.constant -0.333333343 : f32
    %add3A_253 = vector.broadcast %add3A_252 : f32 to vector<1x4000xf32>
    %add3A_254 = arith.addf %mul3A_251, %add3A_253 : vector<1x4000xf32>
    %mul3A_255 = arith.mulf %add3A_254, %mul3A_208 : vector<1x4000xf32>
    %add3A_256 = arith.constant 1.000000e+00 : f32
    %add3A_257 = vector.broadcast %add3A_256 : f32 to vector<1x4000xf32>
    %add3A_258 = arith.addf %mul3A_255, %add3A_257 : vector<1x4000xf32>
    %mul3A_259 = arith.mulf %select_n3A, %add3A_258 : vector<1x4000xf32>
    %sub3A_260 = arith.constant 1.57079637 : f32
    %sub3A_261 = vector.broadcast %sub3A_260 : f32 to vector<1x4000xf32>
    %sub3A_262 = arith.subf %sub3A_261, %mul3A_259 : vector<1x4000xf32>
    %select_n3A_263 = arith.select %gt3A_201, %sub3A_262, %mul3A_259 : vector<1x4000xi1>, vector<1x4000xf32>
    %add3A_264 = arith.constant 1.000000e-07 : f32
    %add3A_265 = vector.broadcast %add3A_264 : f32 to vector<1x4000xf32>
    %add3A_266 = arith.addf %max3A_151, %add3A_265 : vector<1x4000xf32>
    %div3A_267 = arith.divf %max3A_147, %add3A_266 : vector<1x4000xf32>
    %gt3A_268 = arith.constant 1.000000e+00 : f32
    %gt3A_269 = vector.broadcast %gt3A_268 : f32 to vector<1x4000xf32>
    %gt3A_270 = arith.cmpf ogt, %div3A_267, %gt3A_269 : vector<1x4000xf32>
    %max3A_271 = arith.constant 1.000000e+00 : f32
    %max3A_272 = vector.broadcast %max3A_271 : f32 to vector<1x4000xf32>
    %max3A_273 = arith.maximumf %div3A_267, %max3A_272 : vector<1x4000xf32>
    %div3A_274 = arith.constant 1.000000e+00 : f32
    %div3A_275 = vector.broadcast %div3A_274 : f32 to vector<1x4000xf32>
    %div3A_276 = arith.divf %div3A_275, %max3A_273 : vector<1x4000xf32>
    %select_n3A_277 = arith.select %gt3A_270, %div3A_276, %div3A_267 : vector<1x4000xi1>, vector<1x4000xf32>
    %mul3A_278 = arith.mulf %select_n3A_277, %select_n3A_277 : vector<1x4000xf32>
    %broadcast_in_dim3A_279 = arith.constant 4.45197918E-4 : f32
    %broadcast_in_dim3A_280 = vector.broadcast %broadcast_in_dim3A_279 : f32 to vector<1x4000xf32>
    %mul3A_281 = arith.mulf %broadcast_in_dim3A_280, %mul3A_278 : vector<1x4000xf32>
    %add3A_282 = arith.constant -0.00335367559 : f32
    %add3A_283 = vector.broadcast %add3A_282 : f32 to vector<1x4000xf32>
    %add3A_284 = arith.addf %mul3A_281, %add3A_283 : vector<1x4000xf32>
    %mul3A_285 = arith.mulf %add3A_284, %mul3A_278 : vector<1x4000xf32>
    %add3A_286 = arith.constant 0.0118503794 : f32
    %add3A_287 = vector.broadcast %add3A_286 : f32 to vector<1x4000xf32>
    %add3A_288 = arith.addf %mul3A_285, %add3A_287 : vector<1x4000xf32>
    %mul3A_289 = arith.mulf %add3A_288, %mul3A_278 : vector<1x4000xf32>
    %add3A_290 = arith.constant -0.0266563538 : f32
    %add3A_291 = vector.broadcast %add3A_290 : f32 to vector<1x4000xf32>
    %add3A_292 = arith.addf %mul3A_289, %add3A_291 : vector<1x4000xf32>
    %mul3A_293 = arith.mulf %add3A_292, %mul3A_278 : vector<1x4000xf32>
    %add3A_294 = arith.constant 0.0442830436 : f32
    %add3A_295 = vector.broadcast %add3A_294 : f32 to vector<1x4000xf32>
    %add3A_296 = arith.addf %mul3A_293, %add3A_295 : vector<1x4000xf32>
    %mul3A_297 = arith.mulf %add3A_296, %mul3A_278 : vector<1x4000xf32>
    %add3A_298 = arith.constant -0.0606349744 : f32
    %add3A_299 = vector.broadcast %add3A_298 : f32 to vector<1x4000xf32>
    %add3A_300 = arith.addf %mul3A_297, %add3A_299 : vector<1x4000xf32>
    %mul3A_301 = arith.mulf %add3A_300, %mul3A_278 : vector<1x4000xf32>
    %add3A_302 = arith.constant 0.0751323401 : f32
    %add3A_303 = vector.broadcast %add3A_302 : f32 to vector<1x4000xf32>
    %add3A_304 = arith.addf %mul3A_301, %add3A_303 : vector<1x4000xf32>
    %mul3A_305 = arith.mulf %add3A_304, %mul3A_278 : vector<1x4000xf32>
    %add3A_306 = arith.constant -0.0905436277 : f32
    %add3A_307 = vector.broadcast %add3A_306 : f32 to vector<1x4000xf32>
    %add3A_308 = arith.addf %mul3A_305, %add3A_307 : vector<1x4000xf32>
    %mul3A_309 = arith.mulf %add3A_308, %mul3A_278 : vector<1x4000xf32>
    %add3A_310 = arith.constant 0.111062646 : f32
    %add3A_311 = vector.broadcast %add3A_310 : f32 to vector<1x4000xf32>
    %add3A_312 = arith.addf %mul3A_309, %add3A_311 : vector<1x4000xf32>
    %mul3A_313 = arith.mulf %add3A_312, %mul3A_278 : vector<1x4000xf32>
    %add3A_314 = arith.constant -0.14285332 : f32
    %add3A_315 = vector.broadcast %add3A_314 : f32 to vector<1x4000xf32>
    %add3A_316 = arith.addf %mul3A_313, %add3A_315 : vector<1x4000xf32>
    %mul3A_317 = arith.mulf %add3A_316, %mul3A_278 : vector<1x4000xf32>
    %add3A_318 = arith.constant 0.199999839 : f32
    %add3A_319 = vector.broadcast %add3A_318 : f32 to vector<1x4000xf32>
    %add3A_320 = arith.addf %mul3A_317, %add3A_319 : vector<1x4000xf32>
    %mul3A_321 = arith.mulf %add3A_320, %mul3A_278 : vector<1x4000xf32>
    %add3A_322 = arith.constant -0.333333343 : f32
    %add3A_323 = vector.broadcast %add3A_322 : f32 to vector<1x4000xf32>
    %add3A_324 = arith.addf %mul3A_321, %add3A_323 : vector<1x4000xf32>
    %mul3A_325 = arith.mulf %add3A_324, %mul3A_278 : vector<1x4000xf32>
    %add3A_326 = arith.constant 1.000000e+00 : f32
    %add3A_327 = vector.broadcast %add3A_326 : f32 to vector<1x4000xf32>
    %add3A_328 = arith.addf %mul3A_325, %add3A_327 : vector<1x4000xf32>
    %mul3A_329 = arith.mulf %select_n3A_277, %add3A_328 : vector<1x4000xf32>
    %sub3A_330 = arith.constant 1.57079637 : f32
    %sub3A_331 = vector.broadcast %sub3A_330 : f32 to vector<1x4000xf32>
    %sub3A_332 = arith.subf %sub3A_331, %mul3A_329 : vector<1x4000xf32>
    %select_n3A_333 = arith.select %gt3A_270, %sub3A_332, %mul3A_329 : vector<1x4000xi1>, vector<1x4000xf32>
    %sub3A_334 = arith.subf %select_n3A_263, %select_n3A_333 : vector<1x4000xf32>
    %integer_pow3A_335 = arith.mulf %sub3A_334, %sub3A_334 : vector<1x4000xf32>
    %mul3A_336 = arith.constant 0.405284733 : f32
    %mul3A_337 = vector.broadcast %mul3A_336 : f32 to vector<1x4000xf32>
    %mul3A_338 = arith.mulf %mul3A_337, %integer_pow3A_335 : vector<1x4000xf32>
    %sub3A_339 = arith.constant 1.000000e+00 : f32
    %sub3A_340 = vector.broadcast %sub3A_339 : f32 to vector<1x4000xf32>
    %sub3A_341 = arith.subf %sub3A_340, %div3A_172 : vector<1x4000xf32>
    %add3A_342 = arith.addf %sub3A_341, %mul3A_338 : vector<1x4000xf32>
    %add3A_343 = arith.constant 1.000000e-07 : f32
    %add3A_344 = vector.broadcast %add3A_343 : f32 to vector<1x4000xf32>
    %add3A_345 = arith.addf %add3A_342, %add3A_344 : vector<1x4000xf32>
    %div3A_346 = arith.divf %mul3A_338, %add3A_345 : vector<1x4000xf32>
    %div3A_347 = arith.divf %div3A_195, %add3A_184 : vector<1x4000xf32>
    %sub3A_348 = arith.subf %div3A_172, %div3A_347 : vector<1x4000xf32>
    %mul3A_349 = arith.mulf %div3A_346, %mul3A_338 : vector<1x4000xf32>
    %sub3A_350 = arith.subf %sub3A_348, %mul3A_349 : vector<1x4000xf32>
    %sub3A_351 = arith.constant 1.000000e+00 : f32
    %sub3A_352 = vector.broadcast %sub3A_351 : f32 to vector<1x4000xf32>
    %sub3A_353 = arith.subf %sub3A_352, %sub3A_350 : vector<1x4000xf32>
    %mul3A_354 = arith.mulf %sub3A_353, %convert_element_type3A_87 : vector<1x4000xf32>
    %reduce_sum3A_355 = vector.shape_cast %mul3A_354 : vector<1x4000xf32> to vector<1x1x4000xf32>
    %reduce_sum3A_356 = arith.constant dense<0.000000e+00> : vector<1xf32>
    %reduce_sum3A_357 = vector.multi_reduction <add>, %reduce_sum3A_355, %reduce_sum3A_356 [1, 2] : vector<1x1x4000xf32> to vector<1xf32>
    %reduce_sum3A_358 = vector.shape_cast %reduce_sum3A_357 : vector<1xf32> to vector<1x1x1xf32>
    %reduce_sum3A_359 = vector.extract %reduce_sum3A_358[0, 0, 0] : f32 from vector<1x1x1xf32>
    %reduce_sum3A_360 = vector.shape_cast %convert_element_type3A_87 : vector<1x4000xf32> to vector<1x1x4000xf32>
    %reduce_sum3A_361 = arith.constant dense<0.000000e+00> : vector<1xf32>
    %reduce_sum3A_362 = vector.multi_reduction <add>, %reduce_sum3A_360, %reduce_sum3A_361 [1, 2] : vector<1x1x4000xf32> to vector<1xf32>
    %reduce_sum3A_363 = vector.shape_cast %reduce_sum3A_362 : vector<1xf32> to vector<1x1x1xf32>
    %reduce_sum3A_364 = vector.extract %reduce_sum3A_363[0, 0, 0] : f32 from vector<1x1x1xf32>
    %broadcast_in_dim3A_365 = vector.broadcast %reduce_sum3A_117 : f32 to vector<1x128xf32>
    %broadcast_in_dim3A_366 = arith.constant 0.000000e+00 : f32
    %broadcast_in_dim3A_367 = vector.broadcast %broadcast_in_dim3A_366 : f32 to vector<1x128xf32>
    %broadcast_in_dim3A_368 = vector.broadcast %reduce_sum3A_359 : f32 to vector<1x128xf32>
    %broadcast_in_dim3A_369 = vector.broadcast %reduce_sum3A_364 : f32 to vector<1x128xf32>
    %broadcast_in_dim3A_370 = arith.constant 0.000000e+00 : f32
    %broadcast_in_dim3A_371 = vector.broadcast %broadcast_in_dim3A_370 : f32 to vector<4x128xf32>
    %concatenate3A = tpu.concatenate %broadcast_in_dim3A_365, %broadcast_in_dim3A_367, %broadcast_in_dim3A_368, %broadcast_in_dim3A_369, %broadcast_in_dim3A_371 in 0 : vector<1x128xf32>, vector<1x128xf32>, vector<1x128xf32>, vector<1x128xf32>, vector<4x128xf32> -> vector<8x128xf32>
    %eq3A_372 = arith.constant 0 : i32
    %eq3A_373 = arith.cmpi eq, %arg0, %eq3A_372 : i32
    %eq3A_374 = arith.constant 0 : i32
    %eq3A_375 = arith.cmpi eq, %arg1, %eq3A_374 : i32
    %and3A = arith.andi %eq3A_373, %eq3A_375 : i1
    %convert_element_type3A_376 = arith.extui %and3A : i1 to i32
    %cond3A = arith.constant 0 : i32
    %cond3A_377 = arith.cmpi ne, %convert_element_type3A_376, %cond3A : i32
    scf.if %cond3A_377 {
      %broadcast_in_dim3A_403 = arith.constant 0.000000e+00 : f32
      %broadcast_in_dim3A_404 = vector.broadcast %broadcast_in_dim3A_403 : f32 to vector<8x8x128xf32>
      %swap3A_405 = arith.constant 0 : index
      %swap3A_406 = arith.constant 0 : index
      %swap3A_407 = arith.constant 0 : index
      %swap3A_408 = vector.load %arg8[%swap3A_405, %swap3A_406, %swap3A_407] : memref<8x8x128xf32, #tpu.memory_space<vmem>>, vector<8x8x128xf32>
      tpu.vector_store %arg8[%swap3A_405, %swap3A_406, %swap3A_407], %broadcast_in_dim3A_404 {strides = array<i32>} : memref<8x8x128xf32, #tpu.memory_space<vmem>>, vector<8x8x128xf32>,
    } else {
    }
    %get3A_378 = arith.index_cast %arg0 : i32 to index
    %get3A_379 = arith.constant 0 : index
    %get3A_380 = arith.constant 0 : index
    %get3A_381 = vector.load %arg8[%get3A_378, %get3A_379, %get3A_380] : memref<8x8x128xf32, #tpu.memory_space<vmem>>, vector<1x8x128xf32>
    %get3A_382 = vector.shape_cast %get3A_381 : vector<1x8x128xf32> to vector<8x128xf32>
    %add3A_383 = arith.addf %get3A_382, %concatenate3A : vector<8x128xf32>
    %swap3A = arith.index_cast %arg0 : i32 to index
    %swap3A_384 = arith.constant 0 : index
    %swap3A_385 = arith.constant 0 : index
    %swap3A_386 = vector.load %arg8[%swap3A, %swap3A_384, %swap3A_385] : memref<8x8x128xf32, #tpu.memory_space<vmem>>, vector<1x8x128xf32>
    %swap3A_387 = vector.shape_cast %swap3A_386 : vector<1x8x128xf32> to vector<8x128xf32>
    %swap3A_388 = vector.shape_cast %add3A_383 : vector<8x128xf32> to vector<1x8x128xf32>
    tpu.vector_store %arg8[%swap3A, %swap3A_384, %swap3A_385], %swap3A_388 {strides = array<i32>} : memref<8x8x128xf32, #tpu.memory_space<vmem>>, vector<1x8x128xf32>,
    %swap3A_389 = arith.constant 0 : index
    %swap3A_390 = arith.constant 0 : index
    %swap3A_391 = arith.constant 0 : index
    %swap3A_392 = arith.constant 0 : index
    %swap3A_393 = vector.load %arg9[%swap3A_389, %swap3A_390, %swap3A_391, %swap3A_392] : memref<1x1x1x4000xf32, #tpu.memory_space<vmem>>, vector<1x1x1x4000xf32>
    %swap3A_394 = vector.shape_cast %swap3A_393 : vector<1x1x1x4000xf32> to vector<1x4000xf32>
    %swap3A_395 = vector.shape_cast %convert_element_type3A_87 : vector<1x4000xf32> to vector<1x1x1x4000xf32>
    tpu.vector_store %arg9[%swap3A_389, %swap3A_390, %swap3A_391, %swap3A_392], %swap3A_395 {strides = array<i32>} : memref<1x1x1x4000xf32, #tpu.memory_space<vmem>>, vector<1x1x1x4000xf32>,
    %swap3A_396 = arith.constant 0 : index
    %swap3A_397 = arith.constant 0 : index
    %swap3A_398 = arith.constant 0 : index
    %swap3A_399 = arith.constant 0 : index
    %swap3A_400 = vector.load %arg10[%swap3A_396, %swap3A_397, %swap3A_398, %swap3A_399] : memref<1x1x1x4000xf32, #tpu.memory_space<vmem>>, vector<1x1x1x4000xf32>
    %swap3A_401 = vector.shape_cast %swap3A_400 : vector<1x1x1x4000xf32> to vector<1x4000xf32>
    %swap3A_402 = vector.shape_cast %dot_general3A_121 : vector<1x4000xf32> to vector<1x1x1x4000xf32>
    tpu.vector_store %arg10[%swap3A_396, %swap3A_397, %swap3A_398, %swap3A_399], %swap3A_402 {strides = array<i32>} : memref<1x1x1x4000xf32, #tpu.memory_space<vmem>>, vector<1x1x1x4000xf32>,
    return
  }
  func.func @transform_0(%arg0: i32, %arg1: i32) -> (i32, i32, i32, i32) {
    %c0_i32 = arith.constant 0 : i32
    %c0_i32_0 = arith.constant 0 : i32
    %c0_i32_1 = arith.constant 0 : i32
    %c0_i32_2 = arith.constant 0 : i32
    return %c0_i32, %arg1, %c0_i32_0, %c0_i32_1 : i32, i32, i32, i32
  }
  func.func @transform_1(%arg0: i32, %arg1: i32) -> (i32, i32, i32) {
    %c0_i32 = arith.constant 0 : i32
    %c0_i32_0 = arith.constant 0 : i32
    %c0_i32_1 = arith.constant 0 : i32
    return %arg0, %c0_i32, %c0_i32_0 : i32, i32, i32
  }
  func.func @transform_2(%arg0: i32, %arg1: i32) -> (i32, i32, i32) {
    %c0_i32 = arith.constant 0 : i32
    %c0_i32_0 = arith.constant 0 : i32
    %c0_i32_1 = arith.constant 0 : i32
    return %arg0, %c0_i32, %c0_i32_0 : i32, i32, i32
  }
  func.func @transform_3(%arg0: i32, %arg1: i32) -> (i32, i32, i32) {
    %c0_i32 = arith.constant 0 : i32
    %c0_i32_0 = arith.constant 0 : i32
    %c0_i32_1 = arith.constant 0 : i32
    return %arg0, %c0_i32, %c0_i32_0 : i32, i32, i32
  }
  func.func @transform_4(%arg0: i32, %arg1: i32) -> (i32, i32, i32, i32) {
    %c0_i32 = arith.constant 0 : i32
    %c0_i32_0 = arith.constant 0 : i32
    %c0_i32_1 = arith.constant 0 : i32
    return %arg0, %arg1, %c0_i32, %c0_i32_0 : i32, i32, i32, i32
  }
  func.func @transform_5(%arg0: i32, %arg1: i32) -> (i32, i32, i32, i32, i32) {
    %c0_i32 = arith.constant 0 : i32
    %c0_i32_0 = arith.constant 0 : i32
    %c0_i32_1 = arith.constant 0 : i32
    %c0_i32_2 = arith.constant 0 : i32
    return %arg0, %c0_i32, %arg1, %c0_i32_0, %c0_i32_1 : i32, i32, i32, i32, i32
  }
  func.func @transform_6(%arg0: i32, %arg1: i32) -> (i32, i32, i32) {
    %c0_i32 = arith.constant 0 : i32
    %c0_i32_0 = arith.constant 0 : i32
    %c0_i32_1 = arith.constant 0 : i32
    %c0_i32_2 = arith.constant 0 : i32
    return %c0_i32, %c0_i32_0, %c0_i32_1 : i32, i32, i32
  }
  func.func @transform_7(%arg0: i32, %arg1: i32) -> (i32, i32, i32, i32) {
    %c0_i32 = arith.constant 0 : i32
    %c0_i32_0 = arith.constant 0 : i32
    %c0_i32_1 = arith.constant 0 : i32
    return %arg0, %arg1, %c0_i32, %c0_i32_0 : i32, i32, i32, i32
  }
  func.func @transform_8(%arg0: i32, %arg1: i32) -> (i32, i32, i32, i32) {
    %c0_i32 = arith.constant 0 : i32
    %c0_i32_0 = arith.constant 0 : i32
    %c0_i32_1 = arith.constant 0 : i32
    return %arg0, %arg1, %c0_i32, %c0_i32_0 : i32, i32, i32, i32
  }
}

module attributes {stable_mosaic.version = 14 : i64} {
  func.func @_k2_block(%arg0: i32, %arg1: memref<1x1x16xi32, #tpu.memory_space<vmem>>, %arg2: memref<8x8x128xf32, #tpu.memory_space<vmem>>, %arg3: memref<32x5120x80xf32, #tpu.memory_space<any>>, %arg4: memref<32x5120x1xf32, #tpu.memory_space<any>>, %arg5: memref<1x128xf32, #tpu.memory_space<vmem>>, %arg6: memref<128x80xf32, #tpu.memory_space<vmem>>, %arg7: memref<128x1xf32, #tpu.memory_space<vmem>>, %arg8: memref<!tpu.dma_semaphore, #tpu.memory_space<semaphore_mem>>, %arg9: memref<!tpu.dma_semaphore, #tpu.memory_space<semaphore_mem>>) attributes {dimension_semantics = [#tpu.dimension_semantics<arbitrary>], iteration_bounds = array<i64: 32>, scalar_prefetch = 0 : i64, scratch_operands = 4 : i64, tpu.core_type = #tpu.core_type<tc>, window_params = [{transform_indices = @transform_0, window_bounds = array<i64: 1, 1, 16>}, {pipeline_mode = #tpu.pipeline_mode<synchronous>, transform_indices = @transform_1, window_bounds = array<i64: 8, 8, 128>}, {}, {}, {pipeline_mode = #tpu.pipeline_mode<synchronous>, transform_indices = @transform_4, window_bounds = array<i64: 1, 128>}]} {
    %get3A = arith.constant 0 : index
    %get3A_0 = arith.constant 0 : index
    %get3A_1 = arith.constant 0 : index
    %get3A_2 = vector.load %arg1[%get3A, %get3A_0, %get3A_1] : memref<1x1x16xi32, #tpu.memory_space<vmem>>, vector<1x1x1xi32>
    %get3A_3 = vector.extract %get3A_2[0, 0, 0] : i32 from vector<1x1x1xi32>
    %iota3A = tpu.iota {dimensions = array<i32: 1>} : vector<128x80xi32>
    %iota3A_4 = tpu.iota {dimensions = array<i32: 0>} : vector<128x1xi32>
    %add3A = arith.constant 127 : i32
    %add3A_5 = arith.addi %get3A_3, %add3A : i32
    %jit3A = arith.constant 128 : i32
    %div3A = arith.divsi %add3A_5, %jit3A : i32
    %sign3A = arith.constant 0 : i32
    %sign3A_6 = arith.cmpi sgt, %add3A_5, %sign3A : i32
    %sign3A_7 = arith.extui %sign3A_6 : i1 to i32
    %sign3A_8 = arith.constant 0 : i32
    %sign3A_9 = arith.cmpi slt, %add3A_5, %sign3A_8 : i32
    %sign3A_10 = arith.extui %sign3A_9 : i1 to i32
    %sign3A_11 = arith.subi %sign3A_7, %sign3A_10 : i32
    %sign3A_12 = arith.constant 0 : i32
    %sign3A_13 = arith.cmpi sgt, %jit3A, %sign3A_12 : i32
    %sign3A_14 = arith.extui %sign3A_13 : i1 to i32
    %sign3A_15 = arith.constant 0 : i32
    %sign3A_16 = arith.cmpi slt, %jit3A, %sign3A_15 : i32
    %sign3A_17 = arith.extui %sign3A_16 : i1 to i32
    %sign3A_18 = arith.subi %sign3A_14, %sign3A_17 : i32
    %ne3A = arith.cmpi ne, %sign3A_11, %sign3A_18 : i32
    %rem3A = arith.remsi %add3A_5, %jit3A : i32
    %ne3A_19 = arith.constant 0 : i32
    %ne3A_20 = arith.cmpi ne, %rem3A, %ne3A_19 : i32
    %and3A = arith.andi %ne3A, %ne3A_20 : i1
    %sub3A = arith.constant 1 : i32
    %sub3A_21 = arith.subi %div3A, %sub3A : i32
    %select_n3A = arith.select %and3A, %sub3A_21, %div3A : i32
    %while3A = arith.constant 0 : i32
    %while3A_22 = arith.constant 0.000000e+00 : f32
    %while3A_23 = arith.subi %select_n3A, %while3A : i32
    %while3A_24 = arith.addi %while3A, %while3A_23 : i32
    %while3A_25 = arith.constant 1 : i32
    %while3A_26 = arith.divsi %while3A_23, %while3A_25 : i32
    %while3A_27 = arith.muli %while3A_26, %while3A_25 : i32
    %while3A_28 = arith.addi %while3A, %while3A_27 : i32
    %while3A_29 = arith.constant 1 : i32
    %while3A_30 = scf.for %while3A_46 = %while3A to %while3A_28 step %while3A_29 iter_args(%while3A_47 = %while3A_22) -> (f32)  : i32 {
      %mul3A = arith.constant 128 : i32
      %mul3A_48 = arith.muli %while3A_46, %mul3A : i32
      %mul3A_49 = arith.constant 128 : i32
      %mul3A_50 = arith.muli %while3A_46, %mul3A_49 : i32
      %dma_start3A = arith.constant 0 : i32
      %dma_start3A_51 = tpu.memref_slice %arg3[%arg0, %mul3A_48, %dma_start3A] : memref<32x5120x80xf32, #tpu.memory_space<any>> -> memref<1x128x80xf32, #tpu.memory_space<any>>
      %dma_start3A_52 = tpu.memref_squeeze %dma_start3A_51 : memref<1x128x80xf32, #tpu.memory_space<any>> -> memref<128x80xf32, #tpu.memory_space<any>>
      tpu.enqueue_dma source(%dma_start3A_52 : memref<128x80xf32, #tpu.memory_space<any>>) target(%arg6 : memref<128x80xf32, #tpu.memory_space<vmem>>) target_semaphore(%arg8 : memref<!tpu.dma_semaphore, #tpu.memory_space<semaphore_mem>>)
      %dma_start3A_53 = arith.constant 0 : i32
      %dma_start3A_54 = tpu.memref_slice %arg4[%arg0, %mul3A_50, %dma_start3A_53] : memref<32x5120x1xf32, #tpu.memory_space<any>> -> memref<1x128x1xf32, #tpu.memory_space<any>>
      %dma_start3A_55 = tpu.memref_squeeze %dma_start3A_54 : memref<1x128x1xf32, #tpu.memory_space<any>> -> memref<128x1xf32, #tpu.memory_space<any>>
      tpu.enqueue_dma source(%dma_start3A_55 : memref<128x1xf32, #tpu.memory_space<any>>) target(%arg7 : memref<128x1xf32, #tpu.memory_space<vmem>>) target_semaphore(%arg9 : memref<!tpu.dma_semaphore, #tpu.memory_space<semaphore_mem>>)
      %dma_wait3A = arith.constant 0 : i32
      %dma_wait3A_56 = tpu.memref_slice %arg3[%arg0, %mul3A_48, %dma_wait3A] : memref<32x5120x80xf32, #tpu.memory_space<any>> -> memref<1x128x80xf32, #tpu.memory_space<any>>
      %dma_wait3A_57 = tpu.memref_squeeze %dma_wait3A_56 : memref<1x128x80xf32, #tpu.memory_space<any>> -> memref<128x80xf32, #tpu.memory_space<any>>
      tpu.wait_dma2 semaphore(%arg8 : memref<!tpu.dma_semaphore, #tpu.memory_space<semaphore_mem>>) src(%dma_wait3A_57 : memref<128x80xf32, #tpu.memory_space<any>>) dst(%arg6 : memref<128x80xf32, #tpu.memory_space<vmem>>)
      %dma_wait3A_58 = arith.constant 0 : i32
      %dma_wait3A_59 = tpu.memref_slice %arg4[%arg0, %mul3A_50, %dma_wait3A_58] : memref<32x5120x1xf32, #tpu.memory_space<any>> -> memref<1x128x1xf32, #tpu.memory_space<any>>
      %dma_wait3A_60 = tpu.memref_squeeze %dma_wait3A_59 : memref<1x128x1xf32, #tpu.memory_space<any>> -> memref<128x1xf32, #tpu.memory_space<any>>
      tpu.wait_dma2 semaphore(%arg9 : memref<!tpu.dma_semaphore, #tpu.memory_space<semaphore_mem>>) src(%dma_wait3A_60 : memref<128x1xf32, #tpu.memory_space<any>>) dst(%arg7 : memref<128x1xf32, #tpu.memory_space<vmem>>)
      %get3A_61 = arith.constant 0 : index
      %get3A_62 = arith.constant 0 : index
      %get3A_63 = vector.load %arg6[%get3A_61, %get3A_62] : memref<128x80xf32, #tpu.memory_space<vmem>>, vector<128x80xf32>
      %jit3A_64 = arith.constant 1.000000e-07 : f32
      %jit3A_65 = arith.constant 0.99999988 : f32
      %max3A = vector.broadcast %jit3A_64 : f32 to vector<128x80xf32>
      %max3A_66 = arith.maximumf %max3A, %get3A_63 : vector<128x80xf32>
      %min3A = vector.broadcast %jit3A_65 : f32 to vector<128x80xf32>
      %min3A_67 = arith.minimumf %min3A, %max3A_66 : vector<128x80xf32>
      %sub3A_68 = arith.constant 1.000000e+00 : f32
      %sub3A_69 = vector.broadcast %sub3A_68 : f32 to vector<128x80xf32>
      %sub3A_70 = arith.subf %sub3A_69, %min3A_67 : vector<128x80xf32>
      %mul3A_71 = arith.constant -7.500000e-01 : f32
      %mul3A_72 = vector.broadcast %mul3A_71 : f32 to vector<128x80xf32>
      %mul3A_73 = arith.mulf %mul3A_72, %min3A_67 : vector<128x80xf32>
      %mul3A_74 = arith.mulf %mul3A_73, %min3A_67 : vector<128x80xf32>
      %log3A = math.log %sub3A_70 : vector<128x80xf32>
      %mul3A_75 = arith.mulf %mul3A_74, %log3A : vector<128x80xf32>
      %mul3A_76 = arith.constant -2.500000e-01 : f32
      %mul3A_77 = vector.broadcast %mul3A_76 : f32 to vector<128x80xf32>
      %mul3A_78 = arith.mulf %mul3A_77, %sub3A_70 : vector<128x80xf32>
      %mul3A_79 = arith.mulf %mul3A_78, %sub3A_70 : vector<128x80xf32>
      %log3A_80 = math.log %min3A_67 : vector<128x80xf32>
      %mul3A_81 = arith.mulf %mul3A_79, %log3A_80 : vector<128x80xf32>
      %get3A_82 = arith.constant 0 : index
      %get3A_83 = arith.constant 0 : index
      %get3A_84 = vector.load %arg7[%get3A_82, %get3A_83] : memref<128x1xf32, #tpu.memory_space<vmem>>, vector<128x1xf32>
      %convert_element_type3A_85 = arith.fptosi %get3A_84 : vector<128x1xf32> to vector<128x1xi32>
      %eq3A_86 = vector.broadcast %convert_element_type3A_85 : vector<128x1xi32> to vector<128x80xi32>
      %eq3A_87 = arith.cmpi eq, %iota3A, %eq3A_86 : vector<128x80xi32>
      %convert_element_type3A_88 = arith.extui %eq3A_87 : vector<128x80xi1> to vector<128x80xi32>
      %convert_element_type3A_89 = arith.sitofp %convert_element_type3A_88 : vector<128x80xi32> to vector<128x80xf32>
      %reduce_sum3A = arith.constant dense<0.000000e+00> : vector<128xf32>
      %reduce_sum3A_90 = vector.multi_reduction <add>, %mul3A_75, %reduce_sum3A [1] : vector<128x80xf32> to vector<128xf32>
      %broadcast_in_dim3A_91 = vector.shape_cast %reduce_sum3A_90 : vector<128xf32> to vector<128x1xf32>
      %sub3A_92 = arith.subf %mul3A_81, %mul3A_75 : vector<128x80xf32>
      %mul3A_93 = arith.mulf %sub3A_92, %convert_element_type3A_89 : vector<128x80xf32>
      %reduce_sum3A_94 = arith.constant dense<0.000000e+00> : vector<128xf32>
      %reduce_sum3A_95 = vector.multi_reduction <add>, %mul3A_93, %reduce_sum3A_94 [1] : vector<128x80xf32> to vector<128xf32>
      %broadcast_in_dim3A_96 = vector.shape_cast %reduce_sum3A_95 : vector<128xf32> to vector<128x1xf32>
      %add3A_97 = arith.addf %broadcast_in_dim3A_91, %broadcast_in_dim3A_96 : vector<128x1xf32>
      %mul3A_98 = arith.constant 128 : i32
      %mul3A_99 = arith.muli %while3A_46, %mul3A_98 : i32
      %add3A_100 = vector.broadcast %mul3A_99 : i32 to vector<128x1xi32>
      %add3A_101 = arith.addi %add3A_100, %iota3A_4 : vector<128x1xi32>
      %lt3A = vector.broadcast %get3A_3 : i32 to vector<128x1xi32>
      %lt3A_102 = arith.cmpi slt, %add3A_101, %lt3A : vector<128x1xi32>
      %convert_element_type3A_103 = arith.extui %lt3A_102 : vector<128x1xi1> to vector<128x1xi32>
      %convert_element_type3A_104 = arith.sitofp %convert_element_type3A_103 : vector<128x1xi32> to vector<128x1xf32>
      %mul3A_105 = arith.mulf %add3A_97, %convert_element_type3A_104 : vector<128x1xf32>
      %reduce_sum3A_106 = vector.shape_cast %mul3A_105 : vector<128x1xf32> to vector<1x128x1xf32>
      %reduce_sum3A_107 = arith.constant dense<0.000000e+00> : vector<1xf32>
      %reduce_sum3A_108 = vector.multi_reduction <add>, %reduce_sum3A_106, %reduce_sum3A_107 [1, 2] : vector<1x128x1xf32> to vector<1xf32>
      %reduce_sum3A_109 = vector.shape_cast %reduce_sum3A_108 : vector<1xf32> to vector<1x1x1xf32>
      %reduce_sum3A_110 = vector.extract %reduce_sum3A_109[0, 0, 0] : f32 from vector<1x1x1xf32>
      %add3A_111 = arith.addf %while3A_47, %reduce_sum3A_110 : f32
      scf.yield %add3A_111 : f32
    }
    %while3A_31 = arith.constant 1 : i32
    %while3A_32 = scf.for %while3A_46 = %while3A_28 to %while3A_24 step %while3A_31 iter_args(%while3A_47 = %while3A_30) -> (f32)  : i32 {
      %mul3A = arith.constant 128 : i32
      %mul3A_48 = arith.muli %while3A_46, %mul3A : i32
      %mul3A_49 = arith.constant 128 : i32
      %mul3A_50 = arith.muli %while3A_46, %mul3A_49 : i32
      %dma_start3A = arith.constant 0 : i32
      %dma_start3A_51 = tpu.memref_slice %arg3[%arg0, %mul3A_48, %dma_start3A] : memref<32x5120x80xf32, #tpu.memory_space<any>> -> memref<1x128x80xf32, #tpu.memory_space<any>>
      %dma_start3A_52 = tpu.memref_squeeze %dma_start3A_51 : memref<1x128x80xf32, #tpu.memory_space<any>> -> memref<128x80xf32, #tpu.memory_space<any>>
      tpu.enqueue_dma source(%dma_start3A_52 : memref<128x80xf32, #tpu.memory_space<any>>) target(%arg6 : memref<128x80xf32, #tpu.memory_space<vmem>>) target_semaphore(%arg8 : memref<!tpu.dma_semaphore, #tpu.memory_space<semaphore_mem>>)
      %dma_start3A_53 = arith.constant 0 : i32
      %dma_start3A_54 = tpu.memref_slice %arg4[%arg0, %mul3A_50, %dma_start3A_53] : memref<32x5120x1xf32, #tpu.memory_space<any>> -> memref<1x128x1xf32, #tpu.memory_space<any>>
      %dma_start3A_55 = tpu.memref_squeeze %dma_start3A_54 : memref<1x128x1xf32, #tpu.memory_space<any>> -> memref<128x1xf32, #tpu.memory_space<any>>
      tpu.enqueue_dma source(%dma_start3A_55 : memref<128x1xf32, #tpu.memory_space<any>>) target(%arg7 : memref<128x1xf32, #tpu.memory_space<vmem>>) target_semaphore(%arg9 : memref<!tpu.dma_semaphore, #tpu.memory_space<semaphore_mem>>)
      %dma_wait3A = arith.constant 0 : i32
      %dma_wait3A_56 = tpu.memref_slice %arg3[%arg0, %mul3A_48, %dma_wait3A] : memref<32x5120x80xf32, #tpu.memory_space<any>> -> memref<1x128x80xf32, #tpu.memory_space<any>>
      %dma_wait3A_57 = tpu.memref_squeeze %dma_wait3A_56 : memref<1x128x80xf32, #tpu.memory_space<any>> -> memref<128x80xf32, #tpu.memory_space<any>>
      tpu.wait_dma2 semaphore(%arg8 : memref<!tpu.dma_semaphore, #tpu.memory_space<semaphore_mem>>) src(%dma_wait3A_57 : memref<128x80xf32, #tpu.memory_space<any>>) dst(%arg6 : memref<128x80xf32, #tpu.memory_space<vmem>>)
      %dma_wait3A_58 = arith.constant 0 : i32
      %dma_wait3A_59 = tpu.memref_slice %arg4[%arg0, %mul3A_50, %dma_wait3A_58] : memref<32x5120x1xf32, #tpu.memory_space<any>> -> memref<1x128x1xf32, #tpu.memory_space<any>>
      %dma_wait3A_60 = tpu.memref_squeeze %dma_wait3A_59 : memref<1x128x1xf32, #tpu.memory_space<any>> -> memref<128x1xf32, #tpu.memory_space<any>>
      tpu.wait_dma2 semaphore(%arg9 : memref<!tpu.dma_semaphore, #tpu.memory_space<semaphore_mem>>) src(%dma_wait3A_60 : memref<128x1xf32, #tpu.memory_space<any>>) dst(%arg7 : memref<128x1xf32, #tpu.memory_space<vmem>>)
      %get3A_61 = arith.constant 0 : index
      %get3A_62 = arith.constant 0 : index
      %get3A_63 = vector.load %arg6[%get3A_61, %get3A_62] : memref<128x80xf32, #tpu.memory_space<vmem>>, vector<128x80xf32>
      %jit3A_64 = arith.constant 1.000000e-07 : f32
      %jit3A_65 = arith.constant 0.99999988 : f32
      %max3A = vector.broadcast %jit3A_64 : f32 to vector<128x80xf32>
      %max3A_66 = arith.maximumf %max3A, %get3A_63 : vector<128x80xf32>
      %min3A = vector.broadcast %jit3A_65 : f32 to vector<128x80xf32>
      %min3A_67 = arith.minimumf %min3A, %max3A_66 : vector<128x80xf32>
      %sub3A_68 = arith.constant 1.000000e+00 : f32
      %sub3A_69 = vector.broadcast %sub3A_68 : f32 to vector<128x80xf32>
      %sub3A_70 = arith.subf %sub3A_69, %min3A_67 : vector<128x80xf32>
      %mul3A_71 = arith.constant -7.500000e-01 : f32
      %mul3A_72 = vector.broadcast %mul3A_71 : f32 to vector<128x80xf32>
      %mul3A_73 = arith.mulf %mul3A_72, %min3A_67 : vector<128x80xf32>
      %mul3A_74 = arith.mulf %mul3A_73, %min3A_67 : vector<128x80xf32>
      %log3A = math.log %sub3A_70 : vector<128x80xf32>
      %mul3A_75 = arith.mulf %mul3A_74, %log3A : vector<128x80xf32>
      %mul3A_76 = arith.constant -2.500000e-01 : f32
      %mul3A_77 = vector.broadcast %mul3A_76 : f32 to vector<128x80xf32>
      %mul3A_78 = arith.mulf %mul3A_77, %sub3A_70 : vector<128x80xf32>
      %mul3A_79 = arith.mulf %mul3A_78, %sub3A_70 : vector<128x80xf32>
      %log3A_80 = math.log %min3A_67 : vector<128x80xf32>
      %mul3A_81 = arith.mulf %mul3A_79, %log3A_80 : vector<128x80xf32>
      %get3A_82 = arith.constant 0 : index
      %get3A_83 = arith.constant 0 : index
      %get3A_84 = vector.load %arg7[%get3A_82, %get3A_83] : memref<128x1xf32, #tpu.memory_space<vmem>>, vector<128x1xf32>
      %convert_element_type3A_85 = arith.fptosi %get3A_84 : vector<128x1xf32> to vector<128x1xi32>
      %eq3A_86 = vector.broadcast %convert_element_type3A_85 : vector<128x1xi32> to vector<128x80xi32>
      %eq3A_87 = arith.cmpi eq, %iota3A, %eq3A_86 : vector<128x80xi32>
      %convert_element_type3A_88 = arith.extui %eq3A_87 : vector<128x80xi1> to vector<128x80xi32>
      %convert_element_type3A_89 = arith.sitofp %convert_element_type3A_88 : vector<128x80xi32> to vector<128x80xf32>
      %reduce_sum3A = arith.constant dense<0.000000e+00> : vector<128xf32>
      %reduce_sum3A_90 = vector.multi_reduction <add>, %mul3A_75, %reduce_sum3A [1] : vector<128x80xf32> to vector<128xf32>
      %broadcast_in_dim3A_91 = vector.shape_cast %reduce_sum3A_90 : vector<128xf32> to vector<128x1xf32>
      %sub3A_92 = arith.subf %mul3A_81, %mul3A_75 : vector<128x80xf32>
      %mul3A_93 = arith.mulf %sub3A_92, %convert_element_type3A_89 : vector<128x80xf32>
      %reduce_sum3A_94 = arith.constant dense<0.000000e+00> : vector<128xf32>
      %reduce_sum3A_95 = vector.multi_reduction <add>, %mul3A_93, %reduce_sum3A_94 [1] : vector<128x80xf32> to vector<128xf32>
      %broadcast_in_dim3A_96 = vector.shape_cast %reduce_sum3A_95 : vector<128xf32> to vector<128x1xf32>
      %add3A_97 = arith.addf %broadcast_in_dim3A_91, %broadcast_in_dim3A_96 : vector<128x1xf32>
      %mul3A_98 = arith.constant 128 : i32
      %mul3A_99 = arith.muli %while3A_46, %mul3A_98 : i32
      %add3A_100 = vector.broadcast %mul3A_99 : i32 to vector<128x1xi32>
      %add3A_101 = arith.addi %add3A_100, %iota3A_4 : vector<128x1xi32>
      %lt3A = vector.broadcast %get3A_3 : i32 to vector<128x1xi32>
      %lt3A_102 = arith.cmpi slt, %add3A_101, %lt3A : vector<128x1xi32>
      %convert_element_type3A_103 = arith.extui %lt3A_102 : vector<128x1xi1> to vector<128x1xi32>
      %convert_element_type3A_104 = arith.sitofp %convert_element_type3A_103 : vector<128x1xi32> to vector<128x1xf32>
      %mul3A_105 = arith.mulf %add3A_97, %convert_element_type3A_104 : vector<128x1xf32>
      %reduce_sum3A_106 = vector.shape_cast %mul3A_105 : vector<128x1xf32> to vector<1x128x1xf32>
      %reduce_sum3A_107 = arith.constant dense<0.000000e+00> : vector<1xf32>
      %reduce_sum3A_108 = vector.multi_reduction <add>, %reduce_sum3A_106, %reduce_sum3A_107 [1, 2] : vector<1x128x1xf32> to vector<1xf32>
      %reduce_sum3A_109 = vector.shape_cast %reduce_sum3A_108 : vector<1xf32> to vector<1x1x1xf32>
      %reduce_sum3A_110 = vector.extract %reduce_sum3A_109[0, 0, 0] : f32 from vector<1x1x1xf32>
      %add3A_111 = arith.addf %while3A_47, %reduce_sum3A_110 : f32
      scf.yield %add3A_111 : f32
    }
    %eq3A = arith.constant 0 : i32
    %eq3A_33 = arith.cmpi eq, %arg0, %eq3A : i32
    %convert_element_type3A = arith.extui %eq3A_33 : i1 to i32
    %cond3A = arith.constant 0 : i32
    %cond3A_34 = arith.cmpi ne, %convert_element_type3A, %cond3A : i32
    scf.if %cond3A_34 {
      %broadcast_in_dim3A_46 = arith.constant 0.000000e+00 : f32
      %broadcast_in_dim3A_47 = vector.broadcast %broadcast_in_dim3A_46 : f32 to vector<1x128xf32>
      %swap3A_48 = arith.constant 0 : index
      %swap3A_49 = arith.constant 0 : index
      %swap3A_50 = vector.load %arg5[%swap3A_48, %swap3A_49] : memref<1x128xf32, #tpu.memory_space<vmem>>, vector<1x128xf32>
      tpu.vector_store %arg5[%swap3A_48, %swap3A_49], %broadcast_in_dim3A_47 {strides = array<i32>} : memref<1x128xf32, #tpu.memory_space<vmem>>, vector<1x128xf32>,
    } else {
    }
    %get3A_35 = arith.constant 0 : index
    %get3A_36 = arith.constant 0 : index
    %get3A_37 = vector.load %arg5[%get3A_35, %get3A_36] : memref<1x128xf32, #tpu.memory_space<vmem>>, vector<1x128xf32>
    %broadcast_in_dim3A = vector.broadcast %while3A_32 : f32 to vector<1x128xf32>
    %add3A_38 = arith.addf %get3A_37, %broadcast_in_dim3A : vector<1x128xf32>
    %swap3A = arith.constant 0 : index
    %swap3A_39 = arith.constant 0 : index
    %swap3A_40 = vector.load %arg5[%swap3A, %swap3A_39] : memref<1x128xf32, #tpu.memory_space<vmem>>, vector<1x128xf32>
    tpu.vector_store %arg5[%swap3A, %swap3A_39], %add3A_38 {strides = array<i32>} : memref<1x128xf32, #tpu.memory_space<vmem>>, vector<1x128xf32>,
    %eq3A_41 = arith.constant 31 : i32
    %eq3A_42 = arith.cmpi eq, %arg0, %eq3A_41 : i32
    %convert_element_type3A_43 = arith.extui %eq3A_42 : i1 to i32
    %cond3A_44 = arith.constant 0 : i32
    %cond3A_45 = arith.cmpi ne, %convert_element_type3A_43, %cond3A_44 : i32
    scf.if %cond3A_45 {
      %get3A_46 = arith.constant 0 : index
      %get3A_47 = arith.constant 0 : index
      %get3A_48 = arith.constant 0 : index
      %get3A_49 = vector.load %arg2[%get3A_46, %get3A_47, %get3A_48] : memref<8x8x128xf32, #tpu.memory_space<vmem>>, vector<8x8x128xf32>
      %slice3A = vector.extract_strided_slice %get3A_49 {offsets = [0, 3, 0], sizes = [8, 1, 1], strides = [1, 1, 1]} : vector<8x8x128xf32> to vector<8x1x1xf32>
      %squeeze3A = vector.shape_cast %slice3A : vector<8x1x1xf32> to vector<8x1xf32>
      %max3A = arith.constant 1.000000e+00 : f32
      %max3A_50 = vector.broadcast %max3A : f32 to vector<8x1xf32>
      %max3A_51 = arith.maximumf %squeeze3A, %max3A_50 : vector<8x1xf32>
      %reduce_sum3A = vector.shape_cast %max3A_51 : vector<8x1xf32> to vector<1x8x1xf32>
      %reduce_sum3A_52 = arith.constant dense<0.000000e+00> : vector<1xf32>
      %reduce_sum3A_53 = vector.multi_reduction <add>, %reduce_sum3A, %reduce_sum3A_52 [1, 2] : vector<1x8x1xf32> to vector<1xf32>
      %reduce_sum3A_54 = vector.shape_cast %reduce_sum3A_53 : vector<1xf32> to vector<1x1x1xf32>
      %reduce_sum3A_55 = vector.extract %reduce_sum3A_54[0, 0, 0] : f32 from vector<1x1x1xf32>
      %slice3A_56 = vector.extract_strided_slice %get3A_49 {offsets = [0, 0, 0], sizes = [8, 1, 1], strides = [1, 1, 1]} : vector<8x8x128xf32> to vector<8x1x1xf32>
      %squeeze3A_57 = vector.shape_cast %slice3A_56 : vector<8x1x1xf32> to vector<8x1xf32>
      %reduce_sum3A_58 = vector.shape_cast %squeeze3A_57 : vector<8x1xf32> to vector<1x8x1xf32>
      %reduce_sum3A_59 = arith.constant dense<0.000000e+00> : vector<1xf32>
      %reduce_sum3A_60 = vector.multi_reduction <add>, %reduce_sum3A_58, %reduce_sum3A_59 [1, 2] : vector<1x8x1xf32> to vector<1xf32>
      %reduce_sum3A_61 = vector.shape_cast %reduce_sum3A_60 : vector<1xf32> to vector<1x1x1xf32>
      %reduce_sum3A_62 = vector.extract %reduce_sum3A_61[0, 0, 0] : f32 from vector<1x1x1xf32>
      %div3A_63 = arith.divf %reduce_sum3A_62, %reduce_sum3A_55 : f32
      %slice3A_64 = vector.extract_strided_slice %get3A_49 {offsets = [0, 2, 0], sizes = [8, 1, 1], strides = [1, 1, 1]} : vector<8x8x128xf32> to vector<8x1x1xf32>
      %squeeze3A_65 = vector.shape_cast %slice3A_64 : vector<8x1x1xf32> to vector<8x1xf32>
      %reduce_sum3A_66 = vector.shape_cast %squeeze3A_65 : vector<8x1xf32> to vector<1x8x1xf32>
      %reduce_sum3A_67 = arith.constant dense<0.000000e+00> : vector<1xf32>
      %reduce_sum3A_68 = vector.multi_reduction <add>, %reduce_sum3A_66, %reduce_sum3A_67 [1, 2] : vector<1x8x1xf32> to vector<1xf32>
      %reduce_sum3A_69 = vector.shape_cast %reduce_sum3A_68 : vector<1xf32> to vector<1x1x1xf32>
      %reduce_sum3A_70 = vector.extract %reduce_sum3A_69[0, 0, 0] : f32 from vector<1x1x1xf32>
      %div3A_71 = arith.divf %reduce_sum3A_70, %reduce_sum3A_55 : f32
      %get3A_72 = arith.constant 0 : index
      %get3A_73 = arith.constant 0 : index
      %get3A_74 = vector.load %arg5[%get3A_72, %get3A_73] : memref<1x128xf32, #tpu.memory_space<vmem>>, vector<1x1xf32>
      %get3A_75 = vector.extract %get3A_74[0, 0] : f32 from vector<1x1xf32>
      %div3A_76 = arith.divf %get3A_75, %reduce_sum3A_55 : f32
      %iota3A_77 = tpu.iota {dimensions = array<i32: 1>} : vector<1x128xi32>
      %eq3A_78 = arith.constant 0 : i32
      %eq3A_79 = vector.broadcast %eq3A_78 : i32 to vector<1x128xi32>
      %eq3A_80 = arith.cmpi eq, %iota3A_77, %eq3A_79 : vector<1x128xi32>
      %eq3A_81 = arith.constant 1 : i32
      %eq3A_82 = vector.broadcast %eq3A_81 : i32 to vector<1x128xi32>
      %eq3A_83 = arith.cmpi eq, %iota3A_77, %eq3A_82 : vector<1x128xi32>
      %eq3A_84 = arith.constant 2 : i32
      %eq3A_85 = vector.broadcast %eq3A_84 : i32 to vector<1x128xi32>
      %eq3A_86 = arith.cmpi eq, %iota3A_77, %eq3A_85 : vector<1x128xi32>
      %jit3A_87 = arith.constant 0.000000e+00 : f32
      %broadcast_in_dim3A_88 = vector.broadcast %div3A_71 : f32 to vector<1x128xf32>
      %broadcast_in_dim3A_89 = vector.broadcast %jit3A_87 : f32 to vector<1x128xf32>
      %select_n3A_90 = arith.select %eq3A_86, %broadcast_in_dim3A_88, %broadcast_in_dim3A_89 : vector<1x128xi1>, vector<1x128xf32>
      %broadcast_in_dim3A_91 = vector.broadcast %div3A_76 : f32 to vector<1x128xf32>
      %select_n3A_92 = arith.select %eq3A_83, %broadcast_in_dim3A_91, %select_n3A_90 : vector<1x128xi1>, vector<1x128xf32>
      %broadcast_in_dim3A_93 = vector.broadcast %div3A_63 : f32 to vector<1x128xf32>
      %select_n3A_94 = arith.select %eq3A_80, %broadcast_in_dim3A_93, %select_n3A_92 : vector<1x128xi1>, vector<1x128xf32>
      %ne3A_95 = arith.cmpf one, %select_n3A_94, %select_n3A_94 : vector<1x128xf32>
      %abs3A = math.absf %select_n3A_94 : vector<1x128xf32>
      %eq3A_96 = arith.constant 0x7F800000 : f32
      %eq3A_97 = vector.broadcast %eq3A_96 : f32 to vector<1x128xf32>
      %eq3A_98 = arith.cmpf oeq, %abs3A, %eq3A_97 : vector<1x128xf32>
      %or3A = arith.ori %ne3A_95, %eq3A_98 : vector<1x128xi1>
      %jit3A_99 = arith.constant 0.000000e+00 : f32
      %broadcast_in_dim3A_100 = vector.broadcast %jit3A_99 : f32 to vector<1x128xf32>
      %select_n3A_101 = arith.select %or3A, %broadcast_in_dim3A_100, %select_n3A_94 : vector<1x128xi1>, vector<1x128xf32>
      %swap3A_102 = arith.constant 0 : index
      %swap3A_103 = arith.constant 0 : index
      %swap3A_104 = vector.load %arg5[%swap3A_102, %swap3A_103] : memref<1x128xf32, #tpu.memory_space<vmem>>, vector<1x128xf32>
      tpu.vector_store %arg5[%swap3A_102, %swap3A_103], %select_n3A_101 {strides = array<i32>} : memref<1x128xf32, #tpu.memory_space<vmem>>, vector<1x128xf32>,
    } else {
    }
    return
  }
  func.func @transform_0(%arg0: i32) -> (i32, i32, i32) {
    %c0_i32 = arith.constant 0 : i32
    %c0_i32_0 = arith.constant 0 : i32
    %c0_i32_1 = arith.constant 0 : i32
    return %arg0, %c0_i32, %c0_i32_0 : i32, i32, i32
  }
  func.func @transform_1(%arg0: i32) -> (i32, i32, i32) {
    %c0_i32 = arith.constant 0 : i32
    %c0_i32_0 = arith.constant 0 : i32
    %c0_i32_1 = arith.constant 0 : i32
    %c0_i32_2 = arith.constant 0 : i32
    return %c0_i32, %c0_i32_0, %c0_i32_1 : i32, i32, i32
  }
  func.func @transform_4(%arg0: i32) -> (i32, i32) {
    %c0_i32 = arith.constant 0 : i32
    %c0_i32_0 = arith.constant 0 : i32
    %c0_i32_1 = arith.constant 0 : i32
    return %c0_i32, %c0_i32_0 : i32, i32
  }
}

</mosaic_0001>

<sc_bundles>
// kernel: kernel.5.cloned.1.call-start
scs
__scs_entry_jumppad:
0x0: {  	(pc) =	sbr.rel $0x88, $3  }
0x1: {  	(tag) =	ssettag $0x0;
	lr =	simm.s32 $0x1  }
0x2: {  	[smem:$0x3F9B] =	sst lr;
	_ =	strace $0xD0000000  }
0x3: {  	_ = 	snop  }
0x4: {  	_ = 	snop  }
0x5: {  	_ = 	snop  }
0x6: {  	_ = 	snop  }
0x7: {  	_ = 	snop  }
__scs_overlays_trampoline_lowered:
0x8: {  	[smem:$0x3FAA] =	sst s0  }
0x9: {  	[smem:$0x3FAB] =	sst s1  }
0xa: {  	[smem:$0x3FAC] =	sst s2  }
0xb: {  	[smem:$0x3FAD] =	sst s3  }
0xc: {  	[smem:$0x3FAE] =	sst s4  }
0xd: {  	[smem:$0x3FAF] =	sst s5  }
0xe: {  	[smem:$0x3FB0] =	sst s6  }
0xf: {  	[smem:$0x3FB1] =	sst s7  }
0x10: {  	[smem:$0x3FB2] =	sst s8  }
0x11: {  	[smem:$0x3FB3] =	sst s9;
	s0 =	simm.s32 @!p0 $0x0  }
0x12: {  	s1 =	sld [smem:$0x3F99];
	s0 =	simm.s32 @p0 $0x1  }
0x13: {  	[smem:$0x3FB4] =	sst s0;
	s0 =	simm.s32 @!p1 $0x0  }
0x14: {  	s2 =	sld [smem:$0x3F98];
	s0 =	simm.s32 @p1 $0x1  }
0x15: {  	[smem:$0x3FB5] =	sst s0;
	s0 =	simm.s32 @!p2 $0x0  }
0x16: {  	s3 =	sld [smem:$0x3FDB];
	s0 =	simm.s32 @p2 $0x1  }
0x17: {  	s4 =	simm.s32 $0x1BF5;
	[smem:$0x3FB7] =	sst s0  }
0x18: {  	s0 =	sld [smem:$0x3F9A];
	_ =	swait.ge [sflag:s4], $0x0  }
0x19: {  	s7 =	sld [smem:$0x3F9B]  }
0x1a: {  	s8 =	sadd.s32 $0xFFFFE003, lr  }
0x1b: {  	s9 =	sadd.s32 $0xFFFFFEF7, lr;
	s5 =	simm.s32 $0xFFFFFFFF;
	p2 =	slt.u32 s8, $0xFFFFF086  }
0x1c: {  	p1 =	slt.u32 s9, $0xF7A;
	s5 =	simm.s32 @!p2 $0x0  }
0x1d: {  	s5 =	simm.s32 @p1 $0x1;
	p0 =	seq.s32 s7, s2  }
0x1e: {  	s7 =	smul.u32 @!p0 $0xF7A, s2;
	p2 =	seq.s32 @!p0 s5, $0x0  }
0x1f: {  	s9 =	smul.u32 $0xF7A, s1;
	s8 =	simm.s32 @!p0 $0x1BF5;
	p2 =	por !p2, p0  }
0x20: {  	[sflag:s8] =	ssyncset.s32 @!p0 $0xFFFFF086;
	s6 =	sadd.s32 @!p0 s3, s7;
	s7 =	simm.s32 @!p0 $0x108  }
0x21: {  	s3 =	sadd.s32 s3, s9;
	s6 =	sadd.s32 @!p0 $0x88, s6;
	s7 =	simm.s32 @p2 $0x1082  }
0x22: {  	[simem:s7], [sflag:s8] =	dma.local @!p0 [hbm:s6], $0xF7A  }
0x23: {  	s9 =	sor.u32 $0xD0000000, s2;
	s6 =	simm.s32 $0x108;
	_ =	swait.ge @!p0 [sflag:s8], $0x0  }
0x24: {  	s3 =	sadd.s32 $0x88, s3;
	s6 =	simm.s32 @!p1 $0x1082;
	[sflag:s4] =	ssyncset.s32 $0xFFFFF086  }
0x25: {  	[simem:s6], [sflag:s4] =	dma.local [hbm:s3], $0xF7A  }
0x26: {  	[smem:$0x3F9B] =	sst s1;
	(tag) =	ssettag s2;
	_ =	strace s9  }
0x27: {  	s1 =	sld [smem:$0x3FAB]  }
0x28: {  	s2 =	sld [smem:$0x3FAC]  }
0x29: {  	s4 =	sld [smem:$0x3FAE]  }
0x2a: {  	p0 =	seq.s32 s5, $0x0;
	s5 =	sld [smem:$0x3FAF]  }
0x2b: {  	s6 =	sld [smem:$0x3FB0]  }
0x2c: {  	s7 =	sld [smem:$0x3FB1]  }
0x2d: {  	s3 =	simm.s32 $0x108;
	s8 =	sld [smem:$0x3FB2]  }
0x2e: {  	s3 =	simm.s32 @!p0 $0x1082;
	s9 =	sld [smem:$0x3FB3]  }
0x2f: {  	lr =	sadd.s32 s0, s3;
	s0 =	sld [smem:$0x3FAA]  }
0x30: {  	s3 =	sld [smem:$0x3FAD]  }
0x31: {  	[smem:$0x3FB6] =	sst s10  }
0x32: {  	s10 =	sld [smem:$0x3FB4];
	_ =	sdelay $0x3  }
0x33: {  	p0 =	seq.s32 s10, $0x1;
	s10 =	sld [smem:$0x3FB6];
	_ =	sdelay $0x3  }
0x34: {  	[smem:$0x3FB6] =	sst s10  }
0x35: {  	s10 =	sld [smem:$0x3FB5];
	_ =	sdelay $0x3  }
0x36: {  	p1 =	seq.s32 s10, $0x1;
	s10 =	sld [smem:$0x3FB6];
	_ =	sdelay $0x3  }
0x37: {  	[smem:$0x3FB6] =	sst s10  }
0x38: {  	s10 =	sld [smem:$0x3FB7]  }
0x39: {  	_ = 	snop;
	(pc) =	sbr.ind lr, $3  }
0x3a: {  	_ = 	snop  }
0x3b: {  	_ = 	snop  }
0x3c: {  	p2 =	seq.s32 s10, $0x1;
	s10 =	sld [smem:$0x3FB6]  }
0x3d: {  	_ =	shalt  }
0x3e: {  	_ =	shalt  }
0x3f: {  	_ =	shalt  }
0x40: {  	_ =	shalt  }
0x41: {  	_ =	shalt  }
0x42: {  	_ =	shalt  }
0x43: {  	_ =	shalt  }
0x44: {  	_ =	shalt  }
0x45: {  	_ =	shalt  }
0x46: {  	_ =	shalt  }
0x47: {  	_ =	shalt  }
0x48: {  	_ =	shalt  }
0x49: {  	_ =	shalt  }
0x4a: {  	_ =	shalt  }
0x4b: {  	_ =	shalt  }
0x4c: {  	_ =	shalt  }
0x4d: {  	_ =	shalt  }
0x4e: {  	_ =	shalt  }
0x4f: {  	_ =	shalt  }
0x50: {  	_ =	shalt  }
0x51: {  	_ =	shalt  }
0x52: {  	_ =	shalt  }
0x53: {  	_ =	shalt  }
0x54: {  	_ =	shalt  }
0x55: {  	_ =	shalt  }
0x56: {  	_ =	shalt  }
0x57: {  	_ =	shalt  }
0x58: {  	_ =	shalt  }
0x59: {  	_ =	shalt  }
0x5a: {  	_ =	shalt  }
0x5b: {  	_ =	shalt  }
0x5c: {  	_ =	shalt  }
0x5d: {  	_ =	shalt  }
0x5e: {  	_ =	shalt  }
0x5f: {  	_ =	shalt  }
0x60: {  	_ =	shalt  }
0x61: {  	_ =	shalt  }
0x62: {  	_ =	shalt  }
0x63: {  	_ =	shalt  }
0x64: {  	_ =	shalt  }
0x65: {  	_ =	shalt  }
0x66: {  	_ =	shalt  }
0x67: {  	_ =	shalt  }
0x68: {  	_ =	shalt  }
0x69: {  	_ =	shalt  }
0x6a: {  	_ =	shalt  }
0x6b: {  	_ =	shalt  }
0x6c: {  	_ =	shalt  }
0x6d: {  	_ =	shalt  }
0x6e: {  	_ =	shalt  }
0x6f: {  	_ =	shalt  }
0x70: {  	_ =	shalt  }
0x71: {  	_ =	shalt  }
0x72: {  	_ =	shalt  }
0x73: {  	_ =	shalt  }
0x74: {  	_ =	shalt  }
0x75: {  	_ =	shalt  }
0x76: {  	_ =	shalt  }
0x77: {  	_ =	shalt  }
0x78: {  	_ =	shalt  }
0x79: {  	_ =	shalt  }
0x7a: {  	_ =	shalt  }
0x7b: {  	_ =	shalt  }
0x7c: {  	_ =	shalt  }
0x7d: {  	_ =	shalt  }
0x7e: {  	_ =	shalt  }
0x7f: {  	_ =	shalt  }
0x80: {  	_ =	shalt  }
0x81: {  	_ =	shalt  }
0x82: {  	_ =	shalt  }
0x83: {  	_ =	shalt  }
0x84: {  	_ =	shalt  }
0x85: {  	_ =	shalt  }
0x86: {  	_ =	shalt  }
0x87: {  	_ =	shalt  }
.Lfunc_end0:
.L_simem_size_0:
called_computation_lowered:
.L_overlay_start_0:
0x88: {  	s2 =	sld [smem:$0x3FD9]  }
0x89: {  	s3 =	sld [smem:$0x3FFE];
	_ =	sdelay $0x1  }
0x8a: {  	s1 =	srdreg.scid  }
0x8b: {  	s0 =	sand.u32 $0x1, s1  }
0x8c: {  	s16 =	sshll.u32 s0, $0xA;
	s2 =	sadd.s32 s3, s2  }
0x8d: {  	s2 =	sadd.s32 s2, s16  }
0x8e: {  	[smem:$0x3FC2] =	sst s2  }
0x8f: {  	_ = 	snop  }
0x90: {  	(tm) =	ssettm $0x1  }
0x91: {  	s17 =	sld [smem:$0x3FFB];
	_ =	sdelay $0x3  }
0x92: {  	_ =	strace s17  }
0x93: {  	s2 =	sld [smem:$0x3FFC];
	_ =	sdelay $0x3  }
0x94: {  	_ =	strace s2  }
0x95: {  	s2 =	sld [smem:$0x3FFD];
	_ =	sdelay $0x3  }
0x96: {  	_ =	strace s2  }
0x97: {  	_ =	strace $0x8FFFFFFF  }
0x98: {  	s18 =	sld [smem:$0x3FDB];
	_ =	sdelay $0x1  }
0x99: {  	s19 =	simm.s32 $_scs_section_size  }
0x9a: {  	s4 =	simm.s32 $_size__tile_overlayer_lowered;
	s5 =	simm.s32 $_tile_overlayer_lowered  }
0x9b: {  	s22 =	simm.s32 $0x1BFF;
	s21 =	sshll.u32 s5, $0x1;
	s2 =	sadd.s32 s19, s18  }
0x9c: {  	s6 =	simm.s32 $0x0;
	s20 =	sshll.u32 s4, $0x1;
	s4 =	sadd.s32 s21, s2  }
0x9d: {  	[timem:s6], [sflag:s22] =	dma.local [hbm:s4], s20  }
0x9e: {  	_ =	swait.ge [sflag:s22], s20  }
0x9f: {  	s3 =	ssub.s32 $0x0, s20;
	[sflag:s22] =	ssyncset.done $0x0  }
0xa0: {  	[sflag:s22] =	ssyncadd.s32 s3;
	_ =	sdelay $0x1  }
0xa1: {  	s23 =	simm.s32 $0x1B8B  }
0xa2: {  	_ =	swait.ge [sflag:s23], $0x1  }
0xa3: {  	[sflag:s23] =	ssyncset.done $0x0  }
0xa4: {  	s25 =	simm.s32 $0x1B8E;
	s24 =	sld [smem:$0x3FFE];
	[sflag:s23] =	ssyncadd.s32 $0xFFFFFFFF  }
0xa5: {  	s26 =	simm.s32 $execute0_lowered;
	[smem:$0x3FD2] =	sst s25  }
0xa6: {  	s4 =	sshll.u32 s26, $0x1;
	_ =	strace $0x80000046;
	[dreg:$0x1] =	wrdreg $0xFFFFFFFF  }
0xa7: {  	s28 =	simm.s32 $_size_execute0_lowered;
	s2 =	sadd.s32 s2, s4;
	[dreg:$0x0] =	wrdreg $0x0  }
0xa8: {  	s4 =	sshll.u32 s28, $0x1;
	[dreg:$0x2] =	wrdreg s2  }
0xa9: {  	[dreg:$0x3] =	wrdreg s4  }
0xaa: {  	[dreg:$0x4] =	wrdreg $0xC0  }
0xab: {  	_ =	task [dreg:s6], $0x5FFFF  }
0xac: {  	[dreg:$0x1] =	wrdreg $0xFFFFFFFF  }
0xad: {  	[dreg:$0x0] =	wrdreg $0x60  }
0xae: {  	[dreg:$0x2] =	wrdreg s24  }
0xaf: {  	[dreg:$0x3] =	wrdreg $0x9  }
0xb0: {  	_ =	task.clear_ibuf [dreg:s6], $0x4FFFF;
	_ =	strace $0x90000046  }
0xb1: {  	s29 =	simm.s32 $0x9;
	_ =	strace $0x80000048  }
0xb2: {  	_ =	swait.ge [sflag:s29], $0x1  }
0xb3: {  	[sflag:s29] =	ssyncadd.s32 $0xFFFFFFFF  }
0xb4: {  	_ =	strace $0x90000048  }
0xb5: {  	_ =	sfence  }
0xb6: {  	s30 =	sld [smem:$0x0];
	_ =	sdelay $0x2  }
0xb7: {  	s31 =	sshll.u32 s1, $0xD;
	s1 =	sshrl.u32 s1, $0x2  }
0xb8: {  	s3 =	sand.u32 $0x4000, s31;
	s1 =	sadd.s32 s1, s30  }
0xb9: {  	s0 =	sor.u32 s3, s0;
	s1 =	sshll.u32 s1, $0x11  }
0xba: {  	s0 =	sor.u32 s1, s0  }
0xbb: {  	s0 =	sadd.s32 $0x8F2B, s0  }
0xbc: {  	[sflag:s0] =	ssyncadd.remote.s32 $0x1  }
0xbd: {  	_ =	sfence.sel $0xFFFF  }
0xbe: {  	[dreg:$0x0] =	wrdreg $0xFFFFFFFF;
	(pc) =	sbr.abs _section_cstart, $3  }
0xbf: {  	[dreg:$0x1] =	wrdreg $0xFFFFFFFF  }
0xc0: {  	_ =	task.clear_ibuf [dreg:s6], $0x2FFFF;
	_ =	strace $0x9FFFFFFF  }
0xc1: {  	(tm) =	ssettm $0x7FFFFFFF  }
tec
execute0_lowered:
.L_overlay_start_1:
0x0: {  	(tag) =	ssettag $0x1  }
0x1: {  	s1 =	srdreg.scid  }
0x2: {  	s0 =	stileid.u32;
	s6 =	rddreg [dreg:$0x0]  }
0x3: {  	s2 =	simm.s32 $0x0;
	s15 =	simm.s32 $0x80;
	s4 =	smul.u32 $0x2800, s0  }
0x4: {  	s16 =	simm.s32 $0x4F40;
	s17 =	simm.s32 $0x4FC0;
	s11 =	smul.u32 $0x2710, s0  }
0x5: {  	s18 =	simm.s32 $0x77C0;
	s8 =	sand.u32 $0x1, s1;
	s14 =	smul.u32 $0xC8000, s0  }
0x6: {  	s19 =	simm.s32 $0x0;
	s1 =	rddreg [dreg:$0x1];
	s7 =	smul.u32 $0x1400, s8  }
0x7: {  	s26 =	sshll.u32 s0, $0x1;
	[smem:$0x7FF] =	sst s2;
	s13 =	smul.u32 $0x1388, s8  }
0x8: {  	s5 =	sor.u32 s8, s26;
	_ =	strace $0x80000047;
	s31 =	smul.u32 $0x64000, s8  }
0x9: {  	s29 =	ssub.s32 $0x2, s8;
	s3 =	smul.u32 $0x1388, s5;
	s5 =	sshll.u32 s5, $0x1  }
0xa: {  	s30 =	sshrl.u32 s29, $0x1;
	s4 =	sadd.s32 s7, s4;
	s12 =	sadd.s32 s5, s6  }
0xb: {  	s3 =	sshrl.u32 s3, $0x3;
	s9 =	sshrl.u32 s4, $0x3;
	s4 =	sadd.s32 $0xA800, s6  }
.Ltmp0:
0xc: {  	s7 =	sadd.s32 $0x19F800, s12;
	s12 =	simm.s32 $0x2;
	(pc) =	sbr.rel .LBB2_1-.Ltmp0, $4  }
0xd: {  	s28 =	sadd.s32 s3, s6;
	s3 =	sadd.s32 $0x27B800, s6;
	s10 =	sadd.s32 s9, s6  }
0xe: {  	s9 =	ssub.s32 s29, s30;
	s5 =	sadd.s32 $0x5800, s28;
	s6 =	sadd.s32 $0x800, s28  }
0xf: {  	s8 =	smax.u32 s9, $0x1;
	s9 =	sadd.s32 s13, s11;
	s10 =	sadd.s32 $0x19A800, s10  }
0x10: {  	v0 =	vimm.f32 $0.0e+00;
	v1 =	vimm.s32 $0x0;
	v2 =	vlaneseq.u32;
	s11 =	sadd.s32 s31, s14;
	s13 =	simm.s32 $0x1390;
	s14 =	simm.s32 $0x1  }
.LBB2_8:
0x11: {  	[sflag:s12] =	ssyncadd.s32 $0xFFFFFF80  }
.LBB2_9:
0x12: {  	s19 =	sadd.s32 $0x1, s19  }
0x13: {  	v3 =	vmov s20;
	p0 =	sne.s32 s19, s8  }
.Ltmp1:
0x14: {  	[tilespmem:$0x77C0] =	vst v3;
	(pc) =	sbr.rel @!p0 .LBB2_10-.Ltmp1, $4  }
0x15: {  	[hbm4b:s7+s2] =	stream.linear.scatter [tilespmem:s18], [sflag:$0x2], $0x10, $0x38;
	[tilespmem:$0x77D0] =	vst v63  }
0x16: {  	_ =	swait.ge [sflag:s12], $0x10  }
0x17: {  	[sflag:s12] =	ssyncset.done $0x0  }
0x18: {  	[sflag:s12] =	ssyncadd.s32 $0xFFFFFFF0  }
.LBB2_1:
0x19: {  	[tilespmem:$0x1380] =	vst v0  }
0x1a: {  	[tilespmem:s2], [sflag:$0x2] =	stream.linear.gather [hbm4b:s5+s2], $0x1388, $0x38;
	[tilespmem:$0x77D0] =	vst v63  }
0x1b: {  	_ =	swait.ge [sflag:s12], $0x1388  }
0x1c: {  	[sflag:s12] =	ssyncset.done $0x0  }
0x1d: {  	[sflag:s12] =	ssyncadd.s32 $0xFFFFEC78  }
0x1e: {  	[tilespmem:s13], [sflag:$0x2] =	stream.linear.gather [hbm4b:s6+s2], $0x1388, $0x38;
	[tilespmem:$0x77D0] =	vst v63  }
0x1f: {  	_ =	swait.ge [sflag:s12], $0x1388  }
0x20: {  	[sflag:s12] =	ssyncset.done $0x0  }
0x21: {  	s20 =	simm.s32 $0x0;
	[sflag:s12] =	ssyncadd.s32 $0xFFFFEC78  }
.LBB2_2:
0x22: {  	p0 =	sne.s32 s20, $0x5000  }
.Ltmp2:
0x23: {  	_ = 	snop;
	(pc) =	sbr.rel @p0 .LBB2_2-.Ltmp2, $3  }
0x24: {  	_ =	sdelay $0x1  }
0x25: {  	s21 =	sshra.s32 s20, $0x2  }
0x26: {  	s20 =	sadd.s32 $0x40, s20;
	[tilespmem:s21+$0x2720] =	vst v1  }
0x27: {  	s20 =	simm.s32 $0x0  }
0x28: {  	v3 =	vld [tilespmem:s20+$0x0];
	_ =	sdelay $0x4  }
0x29: {  	vm0 =	vgt.f32 v3, $5.000000000e-01  }
0x2a: {  	v3 =	vmpcnt.ones.xlane vm0;
	_ =	sdelay $0x1  }
0x2b: {  	(v2sf) =	vpush v3, $0x0;
	_ =	sdelay $0x1  }
0x2c: {  	v4 =	vld [tilespmem:s20+$0x1390];
	_ =	sdelay $0x2  }
0x2d: {  	v5 =	vadd.s32 s9, v2;
	s20 =	simm.s32 $0x0  }
0x2e: {  	[tilespmem:s20+$0x2720] =	vst.msk vm0, v5  }
0x2f: {  	s23 =	simm.s32 $0x10;
	s22 =	simm.s32 $0x80;
	s21 =	smov.u32 s9;
	[tilespmem:s20+$0x3B30] =	vst.msk vm0, v4  }
.LBB2_4:
0x30: {  	p0 =	sne.s32 s22, $0x4E00;
	v3 =	vld [tilespmem:s23+$0x0];
	_ =	sdelay $0x4  }
0x31: {  	v4 =	vld [tilespmem:s23+$0x1390];
	vm0 =	vgt.f32 v3, $5.000000000e-01  }
0x32: {  	v3 =	vmpcnt.ones.xlane vm0  }
0x33: {  	s21 =	sadd.s32 $0x10, s21;
	s23 =	spop (v2sf)  }
0x34: {  	v5 =	vadd.s32 s21, v2;
	(v2sf) =	vpush v3, $0x0;
	s20 =	sadd.s32 s20, s23  }
0x35: {  	[tilespmem:s20+$0x2720] =	vst.msk vm0, v5  }
0x36: {  	[tilespmem:s20+$0x3B30] =	vst.msk vm0, v4  }
.Ltmp3:
0x37: {  	(pc) =	sbr.rel @p0 .LBB2_4-.Ltmp3, $2  }
0x38: {  	_ =	sdelay $0x2  }
0x39: {  	s23 =	sshra.s32 s22, $0x2;
	s22 =	sadd.s32 $0x40, s22  }
0x3a: {  	v3 =	vld [tilespmem:s23+$0x0];
	_ =	sdelay $0x4  }
0x3b: {  	vm0 =	vgt.f32 v3, $5.000000000e-01  }
0x3c: {  	v3 =	vmpcnt.ones.xlane vm0;
	_ =	sdelay $0x1  }
0x3d: {  	(v2sf) =	vpush v3, $0x0;
	_ =	sdelay $0xd  }
0x3e: {  	s22 =	spop (v2sf)  }
0x3f: {  	s24 =	sadd.s32 s20, s22;
	s28 =	spop (v2sf)  }
0x40: {  	s20 =	sadd.s32 s24, s28  }
0x41: {  	s29 =	sadd.s32 $0x7F, s20  }
0x42: {  	s25 =	sand.u32 $0x7F, s29  }
0x43: {  	s30 =	sshra.s32 s29, $0x1F;
	p1 =	slt.s32 s29, $0x1;
	p0 =	sne.s32 s25, $0x0  }
0x44: {  	s31 =	sshrl.u32 s30, $0x19;
	p0 =	por !p1, !p0  }
0x45: {  	v3 =	vld [tilespmem:s23+$0x1390];
	s23 =	simm.s32 $0x1;
	s22 =	sadd.s32 s31, s29;
	p0 =	por !p0, !p0  }
0x46: {  	s22 =	sshra.s32 s22, $0x7;
	s23 =	simm.s32 @!p0 $0x0  }
0x47: {  	s22 =	ssub.s32 s22, s23  }
0x48: {  	p0 =	slt.s32 s22, $0x1  }
.Ltmp4:
0x49: {  	_ = 	snop;
	(pc) =	sbr.rel @p0 .LBB2_9-.Ltmp4, $4  }
0x4a: {  	s21 =	sadd.s32 $0x10, s21  }
0x4b: {  	v4 =	vadd.s32 s21, v2  }
0x4c: {  	[tilespmem:s24+$0x2720] =	vst.msk vm0, v4  }
0x4d: {  	[tilespmem:s24+$0x3B30] =	vst.msk vm0, v3  }
0x4e: {  	s21 =	simm.s32 $0x2760  }
0x4f: {  	v3 =	vld [tilespmem:s21+$0xFFFFFFC0];
	_ =	sdelay $0x4  }
0x50: {  	[tilespmem:$0x4F40] =	vst v3  }
0x51: {  	v3 =	vld [tilespmem:s21+$0xFFFFFFD0];
	_ =	sdelay $0x4  }
0x52: {  	[tilespmem:$0x4F50] =	vst v3  }
0x53: {  	v3 =	vld [tilespmem:s21+$0xFFFFFFE0];
	_ =	sdelay $0x4  }
0x54: {  	[tilespmem:$0x4F60] =	vst v3  }
0x55: {  	v3 =	vld [tilespmem:s21+$0xFFFFFFF0];
	_ =	sdelay $0x4  }
0x56: {  	[tilespmem:$0x4F70] =	vst v3  }
0x57: {  	v3 =	vld [tilespmem:s21+$0x0];
	_ =	sdelay $0x4  }
0x58: {  	[tilespmem:$0x4F80] =	vst v3  }
0x59: {  	v3 =	vld [tilespmem:s21+$0x10];
	_ =	sdelay $0x4  }
0x5a: {  	[tilespmem:$0x4F90] =	vst v3  }
0x5b: {  	v3 =	vld [tilespmem:s21+$0x20];
	_ =	sdelay $0x4  }
0x5c: {  	[tilespmem:$0x4FA0] =	vst v3  }
0x5d: {  	v3 =	vld [tilespmem:s21+$0x30];
	_ =	sdelay $0x4  }
0x5e: {  	[tilespmem:$0x4FB0] =	vst v3  }
0x5f: {  	[tilespmem:s17], [sflag:$0x1] =	stream.indirect.gather [hbm4b:s3+s15], $0x50, s16, s15, $0xb8;
	[tilespmem:$0x77D0] =	vst v63  }
0x60: {  	_ =	swait.ge [sflag:s14], $0x2800  }
0x61: {  	s31 =	sshrl.u32 s11, $0x3;
	[sflag:s14] =	ssyncset.done $0x0  }
0x62: {  	s21 =	sadd.s32 s4, s31;
	[sflag:s14] =	ssyncadd.s32 $0xFFFFD800  }
0x63: {  	[hbm4b:s21+s2] =	stream.linear.scatter [tilespmem:s17], [sflag:$0x2], $0x2800, $0x38;
	[tilespmem:$0x77D0] =	vst v63  }
0x64: {  	p0 =	sne.s32 s22, $0x1;
	_ =	swait.ge [sflag:s12], $0x2800  }
.Ltmp5:
0x65: {  	[sflag:s12] =	ssyncset.done $0x0;
	(pc) =	sbr.rel @!p0 .LBB2_8-.Ltmp5, $4  }
0x66: {  	s21 =	simm.s32 $0x3B30;
	[sflag:s12] =	ssyncadd.s32 $0xFFFFD800  }
0x67: {  	[hbm4b:s10+s2] =	stream.linear.scatter [tilespmem:s21], [sflag:$0x2], $0x80, $0x38;
	[tilespmem:$0x77D0] =	vst v63  }
0x68: {  	s22 =	sadd.s32 $0xFFFFFFFF, s22;
	s23 =	sadd.s32 $0x2800, s11;
	_ =	swait.ge [sflag:s12], $0x80  }
0x69: {  	s24 =	simm.s32 $0x27E0;
	s25 =	smov.u32 s10;
	[sflag:s12] =	ssyncset.done $0x0  }
.LBB2_7:
0x6a: {  	[sflag:s12] =	ssyncadd.s32 $0xFFFFFF80;
	s21 =	sadd.s32 $0x80, s21;
	s25 =	sadd.s32 $0x10, s25  }
0x6b: {  	p0 =	sne.s32 s22, $0x1;
	s22 =	sadd.s32 $0xFFFFFFFF, s22;
	v3 =	vld [tilespmem:s24+$0xFFFFFFC0];
	_ =	sdelay $0x4  }
0x6c: {  	[tilespmem:$0x4F40] =	vst v3  }
0x6d: {  	v3 =	vld [tilespmem:s24+$0xFFFFFFD0];
	_ =	sdelay $0x4  }
0x6e: {  	[tilespmem:$0x4F50] =	vst v3  }
0x6f: {  	v3 =	vld [tilespmem:s24+$0xFFFFFFE0];
	_ =	sdelay $0x4  }
0x70: {  	[tilespmem:$0x4F60] =	vst v3  }
0x71: {  	v3 =	vld [tilespmem:s24+$0xFFFFFFF0];
	_ =	sdelay $0x4  }
0x72: {  	[tilespmem:$0x4F70] =	vst v3  }
0x73: {  	v3 =	vld [tilespmem:s24+$0x0];
	_ =	sdelay $0x4  }
0x74: {  	[tilespmem:$0x4F80] =	vst v3  }
0x75: {  	v3 =	vld [tilespmem:s24+$0x10];
	_ =	sdelay $0x4  }
0x76: {  	[tilespmem:$0x4F90] =	vst v3  }
0x77: {  	v3 =	vld [tilespmem:s24+$0x20];
	_ =	sdelay $0x4  }
0x78: {  	[tilespmem:$0x4FA0] =	vst v3  }
0x79: {  	v3 =	vld [tilespmem:s24+$0x30];
	_ =	sdelay $0x4  }
0x7a: {  	[tilespmem:$0x4FB0] =	vst v3  }
0x7b: {  	[tilespmem:s17], [sflag:$0x1] =	stream.indirect.gather [hbm4b:s3+s15], $0x50, s16, s15, $0xb8;
	[tilespmem:$0x77D0] =	vst v63  }
0x7c: {  	_ =	swait.ge [sflag:s14], $0x2800  }
0x7d: {  	s26 =	sshrl.u32 s23, $0x3;
	[sflag:s14] =	ssyncset.done $0x0  }
0x7e: {  	s26 =	sadd.s32 s4, s26;
	[sflag:s14] =	ssyncadd.s32 $0xFFFFD800  }
0x7f: {  	[hbm4b:s26+s2] =	stream.linear.scatter [tilespmem:s17], [sflag:$0x2], $0x2800, $0x38;
	[tilespmem:$0x77D0] =	vst v63  }
0x80: {  	_ =	swait.ge [sflag:s12], $0x2800  }
.Ltmp6:
0x81: {  	[sflag:s12] =	ssyncset.done $0x0;
	(pc) =	sbr.rel @p0 .LBB2_7-.Ltmp6, $4  }
0x82: {  	[sflag:s12] =	ssyncadd.s32 $0xFFFFD800  }
0x83: {  	[hbm4b:s25+s2] =	stream.linear.scatter [tilespmem:s21], [sflag:$0x2], $0x80, $0x38;
	[tilespmem:$0x77D0] =	vst v63  }
0x84: {  	_ =	swait.ge [sflag:s12], $0x80  }
0x85: {  	s23 =	sadd.s32 $0x2800, s23;
	s24 =	sadd.s32 $0x80, s24;
	[sflag:s12] =	ssyncset.done $0x0  }
.Ltmp7:
0x86: {  	_ = 	snop;
	(pc) =	sbr.rel .LBB2_8-.Ltmp7, $1  }
0x87: {  	_ =	sdelay $0x3  }
.LBB2_10:
0x88: {  	_ =	sfence.sel $0x180000  }
0x89: {  	[bflag:$0x0] =	sbarrier.arrive $0xFFFF  }
0x8a: {  	p0 =	sne.s32 s0, $0x0;
	_ =	strace $0x90000047  }
0x8b: {  	s0 =	sadd.s32 @!p0 $0x100000, s1;
	[bflag:$0x2] =	sbarrier.arrive $0xFFFF  }
0x8c: {  	[sflag:s0] =	ssyncadd.tile.s32 @!p0 $0x1;
	_ =	shalt  }
.Lfunc_end2:
_tile_overlayer_lowered:
.L_overlay_start_2:
0x8d: {  	(tag) =	ssettag $0x2  }
0x8e: {  	s0 =	rddreg [dreg:$0x0];
	s2 =	stileid.u32  }
0x8f: {  	s1 =	rddreg [dreg:$0x1];
	p0 =	sne.s32 s2, $0x0  }
0x90: {  	s3 =	rddreg [dreg:$0x2];
	[bflag:$0x3] =	sbarrier.arrive $0xFFFF;
	s2 =	simm.s32 @!p0 $0x1C02  }
0x91: {  	[timem:s3], [sflag:s2] =	dma.local @!p0 [hbm:s0], s1  }
0x92: {  	s0 =	simm.s32 @!p0 $0x2  }
0x93: {  	_ =	swait.ge @!p0 [sflag:s0], s1  }
0x94: {  	s1 =	ssub.s32 @!p0 $0x0, s1;
	[sflag:s0] =	ssyncset.done @!p0 $0x0  }
0x95: {  	[sflag:s0] =	ssyncadd.s32 @!p0 s1  }
0x96: {  	[bflag:$0x3] =	sbarrier.arrive $0xFFFF  }
0x97: {  	_ =	shalt  }

</sc_bundles>
